<compile_context>
chip_gen: v7x
topology: tpu7x:2x2x1
jax: 0.10.2.dev20260603
libtpu: 0.0.44.dev20260713+nightly
codegen_flags: <defaults>
</compile_context>

<pallas_src>
import functools

import jax
import jax.numpy as jnp
from jax import lax
from jax.experimental import pallas as pl
from jax.experimental.pallas import tpu as pltpu
from jax.experimental.pallas import tpu_sc as plsc

_B = 16
_SRC = 200
_NT = 16
_NFULL = _SRC // 16
_REM = _SRC - _NFULL * 16
_TAIL = _SRC - 16
_MTAIL = _SRC - 64
_LN2 = 0.6931471805599453

_mesh = plsc.VectorSubcoreMesh(core_axis_name="c", subcore_axis_name="s",
                               num_cores=1)


def _lanesum(v, lane):
    for s in (8, 4, 2, 1):
        v = v + v.at[lane ^ s].get(mode="promise_in_bounds",
                                   unique_indices=True)
    return v


def _keep_weight(mv, j, lq, shamt):
    words = mv[pl.ds((j // 4) * 16, 16)]
    w = words.at[4 * (j % 4) + lq].get(mode="promise_in_bounds")
    m = (w >> shamt) & 1
    return 1.0 - m.astype(jnp.float32)


def _keep(words, q, lq, shamt):
    w = words.at[4 * q + lq].get(mode="promise_in_bounds")
    m = (w >> shamt) & 1
    return 1.0 - m.astype(jnp.float32)


@functools.partial(
    pl.kernel,
    mesh=_mesh,
    out_type=[jax.ShapeDtypeStruct((1,), jnp.float32)] * 6,
    compiler_params=pltpu.CompilerParams(needs_layout_passes=False,
                                         skip_device_barrier=True),
    scratch_types=[
        pltpu.VMEM((_SRC,), jnp.float32),
        pltpu.VMEM((_SRC,), jnp.float32),
        pltpu.VMEM((_SRC,), jnp.float32),
        pltpu.VMEM((_SRC,), jnp.float32),
        pltpu.VMEM((_SRC,), jnp.float32),
        pltpu.VMEM((_SRC,), jnp.float32),
        pltpu.VMEM((_SRC // 4,), jnp.int32),
        pltpu.VMEM((64,), jnp.float32),
        pltpu.VMEM_SHARED((_NT * 64,), jnp.float32),
        pltpu.VMEM((_NT * 64,), jnp.float32),
        pltpu.VMEM((16,), jnp.float32),
        pltpu.VMEM((16,), jnp.int32),
        pltpu.VMEM((16,), jnp.float32),
        pltpu.VMEM((96,), jnp.float32),
        pltpu.SemaphoreType.DMA,
    ],
)
def _sc_loss(pp, pt, ep, et, dp, dt, sm, mlp, mlt, pg,
             o_tot, o_pit, o_ene, o_dur, o_fd, o_g,
             ppv, ptv, epv, etv, dpv, dtv, smv,
             accv, shared, redv, mlpv, mltv, pgv, outv, sem):
    sid = lax.axis_index("s")

    cps = [
        pltpu.async_copy(pp.at[sid], ppv, sem),
        pltpu.async_copy(pt.at[sid], ptv, sem),
        pltpu.async_copy(ep.at[sid], epv, sem),
        pltpu.async_copy(et.at[sid], etv, sem),
        pltpu.async_copy(dp.at[sid], dpv, sem),
        pltpu.async_copy(dt.at[sid], dtv, sem),
        pltpu.async_copy(sm.at[sid], smv, sem),
        pltpu.async_copy(mlp, mlpv, sem),
        pltpu.async_copy(mlt, mltv, sem),
        pltpu.async_copy(pg, pgv, sem),
    ]
    for c in cps:
        c.wait()

    lane = lax.broadcasted_iota(jnp.int32, (16,), 0)
    lq = lane >> 2
    shamt = (lane & 3) * 8
    zv = jnp.zeros((16,), jnp.float32)

    def _iter(j, off, m, carry):
        accp, acce, accd, accc = carry
        d0 = ppv[pl.ds(off, 16)] - ptv[pl.ds(off, 16)]
        d1 = epv[pl.ds(off, 16)] - etv[pl.ds(off, 16)]
        d2 = dpv[pl.ds(off, 16)] - dtv[pl.ds(off, 16)]
        return (accp + d0 * d0 * m, acce + d1 * d1 * m,
                accd + d2 * d2 * m, accc + m)

    def _body(j, carry):
        return _iter(j, j * 16, _keep_weight(smv, j, lq, shamt), carry)

    accs = lax.fori_loop(0, _NFULL, _body, (zv, zv, zv, zv))
    wt = smv[pl.ds(_SRC // 4 - 16, 16)]
    w = wt.at[(_TAIL - _MTAIL) // 4 + lq].get(mode="promise_in_bounds")
    mt = 1.0 - ((w >> shamt) & 1).astype(jnp.float32)
    mt = jnp.where(lane >= 16 - _REM, mt, 0.0)
    accp, acce, accd, accc = _iter(0, _TAIL, mt, accs)

    accv[pl.ds(0, 16)] = accp
    accv[pl.ds(16, 16)] = acce
    accv[pl.ds(32, 16)] = accd
    accv[pl.ds(48, 16)] = accc
    pltpu.sync_copy(accv, shared.at[pl.ds(sid * 64, 64)])
    plsc.subcore_barrier()

    @pl.when(sid == 0)
    def _tile0():
        pltpu.sync_copy(shared, redv)

        def _rbody(t, c):
            return (c[0] + redv[pl.ds(t * 64, 16)],
                    c[1] + redv[pl.ds(t * 64 + 16, 16)],
                    c[2] + redv[pl.ds(t * 64 + 32, 16)],
                    c[3] + redv[pl.ds(t * 64 + 48, 16)])

        sp, se, sd, sc = lax.fori_loop(0, _NT, _rbody, (zv, zv, zv, zv))
        inv = 1.0 / jnp.maximum(_lanesum(sc, lane), 1.0)
        pitch = 0.5 * _lanesum(sp, lane) * inv
        energy = 0.5 * _lanesum(se, lane) * inv
        duration = _lanesum(sd, lane) * inv

        mltf = mltv[...].astype(jnp.float32)
        fd = _lanesum(jnp.abs(mlpv[...] - mltf), lane) * (0.01 / 16.0)

        q = pgv[...]
        bits = plsc.bitcast(q, jnp.int32)
        e = (bits >> 23) - 127
        mant = plsc.bitcast((bits & 0x007FFFFF) | 0x3F800000, jnp.float32)
        r = (mant - 1.0) / (mant + 1.0)
        r2 = r * r
        lgm = 2.0 * r * (1.0 + r2 * (1.0 / 3.0 + r2 * (0.2 + r2 * (1.0 / 7.0))))
        lg = e.astype(jnp.float32) * _LN2 + lgm
        g = _lanesum(-jnp.maximum(lg, -100.0), lane) * (1.0 / 16.0)

        total = pitch + energy + duration + fd + g
        outv[pl.ds(0, 16)] = total
        outv[pl.ds(16, 16)] = pitch
        outv[pl.ds(32, 16)] = energy
        outv[pl.ds(48, 16)] = duration
        outv[pl.ds(64, 16)] = fd
        outv[pl.ds(80, 16)] = g
        ocs = [
            pltpu.async_copy(outv.at[pl.ds(0, 1)], o_tot, sem),
            pltpu.async_copy(outv.at[pl.ds(16, 1)], o_pit, sem),
            pltpu.async_copy(outv.at[pl.ds(32, 1)], o_ene, sem),
            pltpu.async_copy(outv.at[pl.ds(48, 1)], o_dur, sem),
            pltpu.async_copy(outv.at[pl.ds(64, 1)], o_fd, sem),
            pltpu.async_copy(outv.at[pl.ds(80, 1)], o_g, sem),
        ]
        for c in ocs:
            c.wait()


def kernel(text, mel_targets, mel_lens_targets, pitch_targets,
           energy_targets, log_duration_targets, mel_predictions,
           postnet_mel_predictions, pitch_predictions, energy_predictions,
           log_duration_predictions, p_placeholder, src_masks, mel_masks,
           mel_placeholder, mel_lens_predictions, extracted_e, log_pi, mu,
           sigma, pred_generated):
    tot, pit, ene, dur, fd, g = _sc_loss(
        pitch_predictions, pitch_targets,
        energy_predictions, energy_targets,
        log_duration_predictions, log_duration_targets,
        src_masks.view(jnp.int32),
        mel_lens_predictions, mel_lens_targets,
        pred_generated.reshape(-1))
    z = jnp.zeros((), jnp.float32)
    return (tot.reshape(()), z, z, pit.reshape(()), ene.reshape(()),
            dur.reshape(()), z, z, fd.reshape(()), g.reshape(()))

# --- scband reference (transcript-rebuilt; emitter-appended) ---
"""Pipeline reference for scband-fast-speech2-loss-6296422056187 (READ-ONLY COPY).

The authoritative reference and input builder live on the scoring server;
editing this copy changes nothing except your own understanding.
"""

import jax, jax.numpy as jnp
import numpy as np

B = 16; SRC = 200; MEL = 2048; NMEL = 80; K = 8; H = 256


def setup_inputs(seed: int = 0) -> dict:
    key = jax.random.key(seed)
    ks = jax.random.split(key, 21)
    inp = {}
    inp['text'] = jax.random.randint(ks[0], (B,), 0, 1000)
    inp['mel_targets'] = jax.random.normal(ks[1], (B, MEL, NMEL), dtype=jnp.float32)
    inp['mel_lens_targets'] = jax.random.randint(ks[2], (B,), 0, MEL)
    inp['pitch_targets'] = jax.random.normal(ks[3], (B, SRC), dtype=jnp.float32)
    inp['energy_targets'] = jax.random.normal(ks[4], (B, SRC), dtype=jnp.float32)
    inp['log_duration_targets'] = jax.random.normal(ks[5], (B, SRC), dtype=jnp.float32)
    inp['mel_predictions'] = jax.random.normal(ks[6], (B, MEL, NMEL), dtype=jnp.float32)
    inp['postnet_mel_predictions'] = jax.random.normal(ks[7], (B, MEL, NMEL), dtype=jnp.float32)
    inp['pitch_predictions'] = jax.random.normal(ks[8], (B, SRC), dtype=jnp.float32)
    inp['energy_predictions'] = jax.random.normal(ks[9], (B, SRC), dtype=jnp.float32)
    inp['log_duration_predictions'] = jax.random.normal(ks[10], (B, SRC), dtype=jnp.float32)
    inp['p_placeholder'] = jax.random.normal(ks[11], (B, SRC), dtype=jnp.float32)
    inp['src_masks'] = jax.random.randint(ks[12], (B, SRC), 0, 2).astype(bool)
    inp['mel_masks'] = jax.random.randint(ks[13], (B, MEL), 0, 2).astype(bool)
    inp['mel_placeholder'] = jax.random.normal(ks[14], (B, MEL), dtype=jnp.float32)
    inp['mel_lens_predictions'] = jax.random.uniform(ks[15], (B,), minval=0.0, maxval=float(MEL))
    inp['extracted_e'] = jax.random.normal(ks[16], (B, SRC, H), dtype=jnp.float32)
    inp['log_pi'] = jax.nn.log_softmax(jax.random.normal(ks[17], (B, SRC, K)), axis=-1)
    inp['mu'] = jax.random.normal(ks[18], (B, SRC, K, H), dtype=jnp.float32)
    inp['sigma'] = jax.random.uniform(ks[19], (B, SRC, K, H), minval=0.5, maxval=1.5)
    inp['pred_generated'] = jax.random.uniform(ks[20], (B, 1), minval=0.01, maxval=0.99)
    return inp


def _masked_mse(pred, tgt, mask):
    # equivalent to nn.MSELoss()(pred.masked_select(mask), tgt.masked_select(mask))
    mf = mask.astype(jnp.float32)
    return jnp.sum(((pred - tgt) ** 2) * mf) / jnp.maximum(jnp.sum(mf), 1.0)


def reference(text, mel_targets, mel_lens_targets, pitch_targets, energy_targets,
              log_duration_targets, mel_predictions, postnet_mel_predictions,
              pitch_predictions, energy_predictions, log_duration_predictions,
              p_placeholder, src_masks, mel_masks, mel_placeholder,
              mel_lens_predictions, extracted_e, log_pi, mu, sigma, pred_generated):
    # direction='to_tgt' (default) and audio=None: mel/postnet/pros/word losses are 0
    src_m = ~src_masks
    mel_m = ~mel_masks
    # phoneme-level pitch & energy
    pitch_loss = _masked_mse(pitch_predictions, pitch_targets, src_m) * 0.5
    energy_loss = _masked_mse(energy_predictions, energy_targets, src_m) * 0.5
    duration_loss = _masked_mse(log_duration_predictions, log_duration_targets, src_m)
    full_duration_loss = jnp.mean(jnp.abs(mel_lens_predictions - mel_lens_targets.astype(jnp.float32))) * 0.01
    # BCE vs all-ones target: -log(pred_generated), log clamped at -100 like torch BCELoss
    g_loss = jnp.mean(-jnp.clip(jnp.log(pred_generated), -100.0, None))
    zero = jnp.zeros(())
    mel_loss = zero; postnet_mel_loss = zero; pros_loss = zero; word_loss = zero
    total_loss = (mel_loss + postnet_mel_loss + duration_loss + pitch_loss + energy_loss
                  + pros_loss + word_loss + full_duration_loss + g_loss)
    return (total_loss, mel_loss, postnet_mel_loss, pitch_loss, energy_loss,
            duration_loss, pros_loss, word_loss, full_duration_loss, g_loss)

if __name__ == "__main__":
    import jax
    _d = setup_inputs()
    print(jax.jit(kernel)(*tuple(_d.values())))

</pallas_src>

<mosaic_0001>
#map = affine_map<(d0, d1) -> (0, 0)>
#map1 = affine_map<(d0, d1) -> (0)>
module attributes {stable_mosaic.version = 14 : i64} {
  func.func @_sc_loss(%arg0: i32, %arg1: i32, %arg2: memref<16x200xf32, #tpu.memory_space<hbm>>, %arg3: memref<16x200xf32, #tpu.memory_space<hbm>>, %arg4: memref<16x200xf32, #tpu.memory_space<hbm>>, %arg5: memref<16x200xf32, #tpu.memory_space<hbm>>, %arg6: memref<16x200xf32, #tpu.memory_space<hbm>>, %arg7: memref<16x200xf32, #tpu.memory_space<hbm>>, %arg8: memref<16x50xi32, #tpu.memory_space<hbm>>, %arg9: memref<16xf32, #tpu.memory_space<hbm>>, %arg10: memref<16xi32, #tpu.memory_space<hbm>>, %arg11: memref<16xf32, #tpu.memory_space<hbm>>, %arg12: memref<1xf32, #tpu.memory_space<hbm>>, %arg13: memref<1xf32, #tpu.memory_space<hbm>>, %arg14: memref<1xf32, #tpu.memory_space<hbm>>, %arg15: memref<1xf32, #tpu.memory_space<hbm>>, %arg16: memref<1xf32, #tpu.memory_space<hbm>>, %arg17: memref<1xf32, #tpu.memory_space<hbm>>, %arg18: memref<200xf32, #tpu.memory_space<vmem>>, %arg19: memref<200xf32, #tpu.memory_space<vmem>>, %arg20: memref<200xf32, #tpu.memory_space<vmem>>, %arg21: memref<200xf32, #tpu.memory_space<vmem>>, %arg22: memref<200xf32, #tpu.memory_space<vmem>>, %arg23: memref<200xf32, #tpu.memory_space<vmem>>, %arg24: memref<50xi32, #tpu.memory_space<vmem>>, %arg25: memref<64xf32, #tpu.memory_space<vmem>>, %arg26: memref<1024xf32, #tpu.memory_space<vmem_shared>>, %arg27: memref<1024xf32, #tpu.memory_space<vmem>>, %arg28: memref<16xf32, #tpu.memory_space<vmem>>, %arg29: memref<16xi32, #tpu.memory_space<vmem>>, %arg30: memref<16xf32, #tpu.memory_space<vmem>>, %arg31: memref<96xf32, #tpu.memory_space<vmem>>, %arg32: memref<!tpu.dma_semaphore, #tpu.memory_space<semaphore_mem>>) attributes {dimension_semantics = [#tpu.dimension_semantics<core_parallel>, #tpu.dimension_semantics<subcore_parallel>], iteration_bounds = array<i64: 1, 16>, scalar_prefetch = 0 : i64, scratch_operands = 15 : i64, tpu.core_type = #tpu.core_type<sc_vector_subcore>, window_params = [{transform_indices = #map}, {transform_indices = #map}, {transform_indices = #map}, {transform_indices = #map}, {transform_indices = #map}, {transform_indices = #map}, {transform_indices = #map}, {transform_indices = #map1}, {transform_indices = #map1}, {transform_indices = #map1}, {transform_indices = #map1}, {transform_indices = #map1}, {transform_indices = #map1}, {transform_indices = #map1}, {transform_indices = #map1}, {transform_indices = #map1}]} {
    %dma_start3A = arith.constant 0 : i32
    %dma_start3A_0 = tpu.memref_slice %arg2[%arg1, %dma_start3A] : memref<16x200xf32, #tpu.memory_space<hbm>> -> memref<1x200xf32, #tpu.memory_space<hbm>>
    %dma_start3A_1 = tpu.memref_squeeze %dma_start3A_0 : memref<1x200xf32, #tpu.memory_space<hbm>> -> memref<200xf32, #tpu.memory_space<hbm>>
    %dma_start3A_2 = arith.constant 0 : i32
    %dma_start3A_3 = tpu.memref_slice %arg2[%arg1, %dma_start3A_2] : memref<16x200xf32, #tpu.memory_space<hbm>> -> memref<1x200xf32, #tpu.memory_space<hbm>>
    %dma_start3A_4 = tpu.memref_squeeze %dma_start3A_3 : memref<1x200xf32, #tpu.memory_space<hbm>> -> memref<200xf32, #tpu.memory_space<hbm>>
    tpu.enqueue_dma source(%dma_start3A_4 : memref<200xf32, #tpu.memory_space<hbm>>) target(%arg18 : memref<200xf32, #tpu.memory_space<vmem>>) target_semaphore(%arg32 : memref<!tpu.dma_semaphore, #tpu.memory_space<semaphore_mem>>)
    %dma_start3A_5 = arith.constant 0 : i32
    %dma_start3A_6 = tpu.memref_slice %arg3[%arg1, %dma_start3A_5] : memref<16x200xf32, #tpu.memory_space<hbm>> -> memref<1x200xf32, #tpu.memory_space<hbm>>
    %dma_start3A_7 = tpu.memref_squeeze %dma_start3A_6 : memref<1x200xf32, #tpu.memory_space<hbm>> -> memref<200xf32, #tpu.memory_space<hbm>>
    %dma_start3A_8 = arith.constant 0 : i32
    %dma_start3A_9 = tpu.memref_slice %arg3[%arg1, %dma_start3A_8] : memref<16x200xf32, #tpu.memory_space<hbm>> -> memref<1x200xf32, #tpu.memory_space<hbm>>
    %dma_start3A_10 = tpu.memref_squeeze %dma_start3A_9 : memref<1x200xf32, #tpu.memory_space<hbm>> -> memref<200xf32, #tpu.memory_space<hbm>>
    tpu.enqueue_dma source(%dma_start3A_10 : memref<200xf32, #tpu.memory_space<hbm>>) target(%arg19 : memref<200xf32, #tpu.memory_space<vmem>>) target_semaphore(%arg32 : memref<!tpu.dma_semaphore, #tpu.memory_space<semaphore_mem>>)
    %dma_start3A_11 = arith.constant 0 : i32
    %dma_start3A_12 = tpu.memref_slice %arg4[%arg1, %dma_start3A_11] : memref<16x200xf32, #tpu.memory_space<hbm>> -> memref<1x200xf32, #tpu.memory_space<hbm>>
    %dma_start3A_13 = tpu.memref_squeeze %dma_start3A_12 : memref<1x200xf32, #tpu.memory_space<hbm>> -> memref<200xf32, #tpu.memory_space<hbm>>
    %dma_start3A_14 = arith.constant 0 : i32
    %dma_start3A_15 = tpu.memref_slice %arg4[%arg1, %dma_start3A_14] : memref<16x200xf32, #tpu.memory_space<hbm>> -> memref<1x200xf32, #tpu.memory_space<hbm>>
    %dma_start3A_16 = tpu.memref_squeeze %dma_start3A_15 : memref<1x200xf32, #tpu.memory_space<hbm>> -> memref<200xf32, #tpu.memory_space<hbm>>
    tpu.enqueue_dma source(%dma_start3A_16 : memref<200xf32, #tpu.memory_space<hbm>>) target(%arg20 : memref<200xf32, #tpu.memory_space<vmem>>) target_semaphore(%arg32 : memref<!tpu.dma_semaphore, #tpu.memory_space<semaphore_mem>>)
    %dma_start3A_17 = arith.constant 0 : i32
    %dma_start3A_18 = tpu.memref_slice %arg5[%arg1, %dma_start3A_17] : memref<16x200xf32, #tpu.memory_space<hbm>> -> memref<1x200xf32, #tpu.memory_space<hbm>>
    %dma_start3A_19 = tpu.memref_squeeze %dma_start3A_18 : memref<1x200xf32, #tpu.memory_space<hbm>> -> memref<200xf32, #tpu.memory_space<hbm>>
    %dma_start3A_20 = arith.constant 0 : i32
    %dma_start3A_21 = tpu.memref_slice %arg5[%arg1, %dma_start3A_20] : memref<16x200xf32, #tpu.memory_space<hbm>> -> memref<1x200xf32, #tpu.memory_space<hbm>>
    %dma_start3A_22 = tpu.memref_squeeze %dma_start3A_21 : memref<1x200xf32, #tpu.memory_space<hbm>> -> memref<200xf32, #tpu.memory_space<hbm>>
    tpu.enqueue_dma source(%dma_start3A_22 : memref<200xf32, #tpu.memory_space<hbm>>) target(%arg21 : memref<200xf32, #tpu.memory_space<vmem>>) target_semaphore(%arg32 : memref<!tpu.dma_semaphore, #tpu.memory_space<semaphore_mem>>)
    %dma_start3A_23 = arith.constant 0 : i32
    %dma_start3A_24 = tpu.memref_slice %arg6[%arg1, %dma_start3A_23] : memref<16x200xf32, #tpu.memory_space<hbm>> -> memref<1x200xf32, #tpu.memory_space<hbm>>
    %dma_start3A_25 = tpu.memref_squeeze %dma_start3A_24 : memref<1x200xf32, #tpu.memory_space<hbm>> -> memref<200xf32, #tpu.memory_space<hbm>>
    %dma_start3A_26 = arith.constant 0 : i32
    %dma_start3A_27 = tpu.memref_slice %arg6[%arg1, %dma_start3A_26] : memref<16x200xf32, #tpu.memory_space<hbm>> -> memref<1x200xf32, #tpu.memory_space<hbm>>
    %dma_start3A_28 = tpu.memref_squeeze %dma_start3A_27 : memref<1x200xf32, #tpu.memory_space<hbm>> -> memref<200xf32, #tpu.memory_space<hbm>>
    tpu.enqueue_dma source(%dma_start3A_28 : memref<200xf32, #tpu.memory_space<hbm>>) target(%arg22 : memref<200xf32, #tpu.memory_space<vmem>>) target_semaphore(%arg32 : memref<!tpu.dma_semaphore, #tpu.memory_space<semaphore_mem>>)
    %dma_start3A_29 = arith.constant 0 : i32
    %dma_start3A_30 = tpu.memref_slice %arg7[%arg1, %dma_start3A_29] : memref<16x200xf32, #tpu.memory_space<hbm>> -> memref<1x200xf32, #tpu.memory_space<hbm>>
    %dma_start3A_31 = tpu.memref_squeeze %dma_start3A_30 : memref<1x200xf32, #tpu.memory_space<hbm>> -> memref<200xf32, #tpu.memory_space<hbm>>
    %dma_start3A_32 = arith.constant 0 : i32
    %dma_start3A_33 = tpu.memref_slice %arg7[%arg1, %dma_start3A_32] : memref<16x200xf32, #tpu.memory_space<hbm>> -> memref<1x200xf32, #tpu.memory_space<hbm>>
    %dma_start3A_34 = tpu.memref_squeeze %dma_start3A_33 : memref<1x200xf32, #tpu.memory_space<hbm>> -> memref<200xf32, #tpu.memory_space<hbm>>
    tpu.enqueue_dma source(%dma_start3A_34 : memref<200xf32, #tpu.memory_space<hbm>>) target(%arg23 : memref<200xf32, #tpu.memory_space<vmem>>) target_semaphore(%arg32 : memref<!tpu.dma_semaphore, #tpu.memory_space<semaphore_mem>>)
    %dma_start3A_35 = arith.constant 0 : i32
    %dma_start3A_36 = tpu.memref_slice %arg8[%arg1, %dma_start3A_35] : memref<16x50xi32, #tpu.memory_space<hbm>> -> memref<1x50xi32, #tpu.memory_space<hbm>>
    %dma_start3A_37 = tpu.memref_squeeze %dma_start3A_36 : memref<1x50xi32, #tpu.memory_space<hbm>> -> memref<50xi32, #tpu.memory_space<hbm>>
    %dma_start3A_38 = arith.constant 0 : i32
    %dma_start3A_39 = tpu.memref_slice %arg8[%arg1, %dma_start3A_38] : memref<16x50xi32, #tpu.memory_space<hbm>> -> memref<1x50xi32, #tpu.memory_space<hbm>>
    %dma_start3A_40 = tpu.memref_squeeze %dma_start3A_39 : memref<1x50xi32, #tpu.memory_space<hbm>> -> memref<50xi32, #tpu.memory_space<hbm>>
    tpu.enqueue_dma source(%dma_start3A_40 : memref<50xi32, #tpu.memory_space<hbm>>) target(%arg24 : memref<50xi32, #tpu.memory_space<vmem>>) target_semaphore(%arg32 : memref<!tpu.dma_semaphore, #tpu.memory_space<semaphore_mem>>)
    tpu.enqueue_dma source(%arg9 : memref<16xf32, #tpu.memory_space<hbm>>) target(%arg28 : memref<16xf32, #tpu.memory_space<vmem>>) target_semaphore(%arg32 : memref<!tpu.dma_semaphore, #tpu.memory_space<semaphore_mem>>)
    tpu.enqueue_dma source(%arg10 : memref<16xi32, #tpu.memory_space<hbm>>) target(%arg29 : memref<16xi32, #tpu.memory_space<vmem>>) target_semaphore(%arg32 : memref<!tpu.dma_semaphore, #tpu.memory_space<semaphore_mem>>)
    tpu.enqueue_dma source(%arg11 : memref<16xf32, #tpu.memory_space<hbm>>) target(%arg30 : memref<16xf32, #tpu.memory_space<vmem>>) target_semaphore(%arg32 : memref<!tpu.dma_semaphore, #tpu.memory_space<semaphore_mem>>)
    %dma_wait3A = arith.constant 0 : i32
    %dma_wait3A_41 = tpu.memref_slice %arg2[%arg1, %dma_wait3A] : memref<16x200xf32, #tpu.memory_space<hbm>> -> memref<1x200xf32, #tpu.memory_space<hbm>>
    %dma_wait3A_42 = tpu.memref_squeeze %dma_wait3A_41 : memref<1x200xf32, #tpu.memory_space<hbm>> -> memref<200xf32, #tpu.memory_space<hbm>>
    %dma_wait3A_43 = arith.constant 0 : i32
    %dma_wait3A_44 = tpu.memref_slice %arg2[%arg1, %dma_wait3A_43] : memref<16x200xf32, #tpu.memory_space<hbm>> -> memref<1x200xf32, #tpu.memory_space<hbm>>
    %dma_wait3A_45 = tpu.memref_squeeze %dma_wait3A_44 : memref<1x200xf32, #tpu.memory_space<hbm>> -> memref<200xf32, #tpu.memory_space<hbm>>
    tpu.wait_dma2 semaphore(%arg32 : memref<!tpu.dma_semaphore, #tpu.memory_space<semaphore_mem>>) src(%dma_wait3A_45 : memref<200xf32, #tpu.memory_space<hbm>>) dst(%arg18 : memref<200xf32, #tpu.memory_space<vmem>>)
    %dma_wait3A_46 = arith.constant 0 : i32
    %dma_wait3A_47 = tpu.memref_slice %arg3[%arg1, %dma_wait3A_46] : memref<16x200xf32, #tpu.memory_space<hbm>> -> memref<1x200xf32, #tpu.memory_space<hbm>>
    %dma_wait3A_48 = tpu.memref_squeeze %dma_wait3A_47 : memref<1x200xf32, #tpu.memory_space<hbm>> -> memref<200xf32, #tpu.memory_space<hbm>>
    %dma_wait3A_49 = arith.constant 0 : i32
    %dma_wait3A_50 = tpu.memref_slice %arg3[%arg1, %dma_wait3A_49] : memref<16x200xf32, #tpu.memory_space<hbm>> -> memref<1x200xf32, #tpu.memory_space<hbm>>
    %dma_wait3A_51 = tpu.memref_squeeze %dma_wait3A_50 : memref<1x200xf32, #tpu.memory_space<hbm>> -> memref<200xf32, #tpu.memory_space<hbm>>
    tpu.wait_dma2 semaphore(%arg32 : memref<!tpu.dma_semaphore, #tpu.memory_space<semaphore_mem>>) src(%dma_wait3A_51 : memref<200xf32, #tpu.memory_space<hbm>>) dst(%arg19 : memref<200xf32, #tpu.memory_space<vmem>>)
    %dma_wait3A_52 = arith.constant 0 : i32
    %dma_wait3A_53 = tpu.memref_slice %arg4[%arg1, %dma_wait3A_52] : memref<16x200xf32, #tpu.memory_space<hbm>> -> memref<1x200xf32, #tpu.memory_space<hbm>>
    %dma_wait3A_54 = tpu.memref_squeeze %dma_wait3A_53 : memref<1x200xf32, #tpu.memory_space<hbm>> -> memref<200xf32, #tpu.memory_space<hbm>>
    %dma_wait3A_55 = arith.constant 0 : i32
    %dma_wait3A_56 = tpu.memref_slice %arg4[%arg1, %dma_wait3A_55] : memref<16x200xf32, #tpu.memory_space<hbm>> -> memref<1x200xf32, #tpu.memory_space<hbm>>
    %dma_wait3A_57 = tpu.memref_squeeze %dma_wait3A_56 : memref<1x200xf32, #tpu.memory_space<hbm>> -> memref<200xf32, #tpu.memory_space<hbm>>
    tpu.wait_dma2 semaphore(%arg32 : memref<!tpu.dma_semaphore, #tpu.memory_space<semaphore_mem>>) src(%dma_wait3A_57 : memref<200xf32, #tpu.memory_space<hbm>>) dst(%arg20 : memref<200xf32, #tpu.memory_space<vmem>>)
    %dma_wait3A_58 = arith.constant 0 : i32
    %dma_wait3A_59 = tpu.memref_slice %arg5[%arg1, %dma_wait3A_58] : memref<16x200xf32, #tpu.memory_space<hbm>> -> memref<1x200xf32, #tpu.memory_space<hbm>>
    %dma_wait3A_60 = tpu.memref_squeeze %dma_wait3A_59 : memref<1x200xf32, #tpu.memory_space<hbm>> -> memref<200xf32, #tpu.memory_space<hbm>>
    %dma_wait3A_61 = arith.constant 0 : i32
    %dma_wait3A_62 = tpu.memref_slice %arg5[%arg1, %dma_wait3A_61] : memref<16x200xf32, #tpu.memory_space<hbm>> -> memref<1x200xf32, #tpu.memory_space<hbm>>
    %dma_wait3A_63 = tpu.memref_squeeze %dma_wait3A_62 : memref<1x200xf32, #tpu.memory_space<hbm>> -> memref<200xf32, #tpu.memory_space<hbm>>
    tpu.wait_dma2 semaphore(%arg32 : memref<!tpu.dma_semaphore, #tpu.memory_space<semaphore_mem>>) src(%dma_wait3A_63 : memref<200xf32, #tpu.memory_space<hbm>>) dst(%arg21 : memref<200xf32, #tpu.memory_space<vmem>>)
    %dma_wait3A_64 = arith.constant 0 : i32
    %dma_wait3A_65 = tpu.memref_slice %arg6[%arg1, %dma_wait3A_64] : memref<16x200xf32, #tpu.memory_space<hbm>> -> memref<1x200xf32, #tpu.memory_space<hbm>>
    %dma_wait3A_66 = tpu.memref_squeeze %dma_wait3A_65 : memref<1x200xf32, #tpu.memory_space<hbm>> -> memref<200xf32, #tpu.memory_space<hbm>>
    %dma_wait3A_67 = arith.constant 0 : i32
    %dma_wait3A_68 = tpu.memref_slice %arg6[%arg1, %dma_wait3A_67] : memref<16x200xf32, #tpu.memory_space<hbm>> -> memref<1x200xf32, #tpu.memory_space<hbm>>
    %dma_wait3A_69 = tpu.memref_squeeze %dma_wait3A_68 : memref<1x200xf32, #tpu.memory_space<hbm>> -> memref<200xf32, #tpu.memory_space<hbm>>
    tpu.wait_dma2 semaphore(%arg32 : memref<!tpu.dma_semaphore, #tpu.memory_space<semaphore_mem>>) src(%dma_wait3A_69 : memref<200xf32, #tpu.memory_space<hbm>>) dst(%arg22 : memref<200xf32, #tpu.memory_space<vmem>>)
    %dma_wait3A_70 = arith.constant 0 : i32
    %dma_wait3A_71 = tpu.memref_slice %arg7[%arg1, %dma_wait3A_70] : memref<16x200xf32, #tpu.memory_space<hbm>> -> memref<1x200xf32, #tpu.memory_space<hbm>>
    %dma_wait3A_72 = tpu.memref_squeeze %dma_wait3A_71 : memref<1x200xf32, #tpu.memory_space<hbm>> -> memref<200xf32, #tpu.memory_space<hbm>>
    %dma_wait3A_73 = arith.constant 0 : i32
    %dma_wait3A_74 = tpu.memref_slice %arg7[%arg1, %dma_wait3A_73] : memref<16x200xf32, #tpu.memory_space<hbm>> -> memref<1x200xf32, #tpu.memory_space<hbm>>
    %dma_wait3A_75 = tpu.memref_squeeze %dma_wait3A_74 : memref<1x200xf32, #tpu.memory_space<hbm>> -> memref<200xf32, #tpu.memory_space<hbm>>
    tpu.wait_dma2 semaphore(%arg32 : memref<!tpu.dma_semaphore, #tpu.memory_space<semaphore_mem>>) src(%dma_wait3A_75 : memref<200xf32, #tpu.memory_space<hbm>>) dst(%arg23 : memref<200xf32, #tpu.memory_space<vmem>>)
    %dma_wait3A_76 = arith.constant 0 : i32
    %dma_wait3A_77 = tpu.memref_slice %arg8[%arg1, %dma_wait3A_76] : memref<16x50xi32, #tpu.memory_space<hbm>> -> memref<1x50xi32, #tpu.memory_space<hbm>>
    %dma_wait3A_78 = tpu.memref_squeeze %dma_wait3A_77 : memref<1x50xi32, #tpu.memory_space<hbm>> -> memref<50xi32, #tpu.memory_space<hbm>>
    %dma_wait3A_79 = arith.constant 0 : i32
    %dma_wait3A_80 = tpu.memref_slice %arg8[%arg1, %dma_wait3A_79] : memref<16x50xi32, #tpu.memory_space<hbm>> -> memref<1x50xi32, #tpu.memory_space<hbm>>
    %dma_wait3A_81 = tpu.memref_squeeze %dma_wait3A_80 : memref<1x50xi32, #tpu.memory_space<hbm>> -> memref<50xi32, #tpu.memory_space<hbm>>
    tpu.wait_dma2 semaphore(%arg32 : memref<!tpu.dma_semaphore, #tpu.memory_space<semaphore_mem>>) src(%dma_wait3A_81 : memref<50xi32, #tpu.memory_space<hbm>>) dst(%arg24 : memref<50xi32, #tpu.memory_space<vmem>>)
    tpu.wait_dma2 semaphore(%arg32 : memref<!tpu.dma_semaphore, #tpu.memory_space<semaphore_mem>>) src(%arg9 : memref<16xf32, #tpu.memory_space<hbm>>) dst(%arg28 : memref<16xf32, #tpu.memory_space<vmem>>)
    tpu.wait_dma2 semaphore(%arg32 : memref<!tpu.dma_semaphore, #tpu.memory_space<semaphore_mem>>) src(%arg10 : memref<16xi32, #tpu.memory_space<hbm>>) dst(%arg29 : memref<16xi32, #tpu.memory_space<vmem>>)
    tpu.wait_dma2 semaphore(%arg32 : memref<!tpu.dma_semaphore, #tpu.memory_space<semaphore_mem>>) src(%arg11 : memref<16xf32, #tpu.memory_space<hbm>>) dst(%arg30 : memref<16xf32, #tpu.memory_space<vmem>>)
    %iota3A = tpu.iota {dimensions = array<i32: 0>} : vector<16xi32>
    %shift_right_arithmetic3A = arith.constant 2 : i32
    %shift_right_arithmetic3A_82 = vector.broadcast %shift_right_arithmetic3A : i32 to vector<16xi32>
    %shift_right_arithmetic3A_83 = arith.shrsi %iota3A, %shift_right_arithmetic3A_82 : vector<16xi32>
    %and3A = arith.constant 3 : i32
    %and3A_84 = vector.broadcast %and3A : i32 to vector<16xi32>
    %and3A_85 = arith.andi %iota3A, %and3A_84 : vector<16xi32>
    %mul3A = arith.constant 8 : i32
    %mul3A_86 = vector.broadcast %mul3A : i32 to vector<16xi32>
    %mul3A_87 = arith.muli %and3A_85, %mul3A_86 : vector<16xi32>
    %broadcast_in_dim3A = arith.constant 0.000000e+00 : f32
    %broadcast_in_dim3A_88 = vector.broadcast %broadcast_in_dim3A : f32 to vector<16xf32>
    %scan3A = arith.constant 0 : i32
    %scan3A_89 = arith.constant 12 : i32
    %scan3A_90 = arith.addi %scan3A, %scan3A_89 : i32
    %scan3A_91 = arith.constant 1 : i32
    %scan3A_92:4 = scf.for %scan3A_151 = %scan3A to %scan3A_90 step %scan3A_91 iter_args(%scan3A_152 = %broadcast_in_dim3A_88, %scan3A_153 = %broadcast_in_dim3A_88, %scan3A_154 = %broadcast_in_dim3A_88, %scan3A_155 = %broadcast_in_dim3A_88) -> (vector<16xf32>, vector<16xf32>, vector<16xf32>, vector<16xf32>)  : i32 {
      %mul3A_156 = arith.constant 16 : i32
      %mul3A_157 = arith.muli %scan3A_151, %mul3A_156 : i32
      %jit3A_158 = arith.constant 4 : i32
      %div3A = arith.divsi %scan3A_151, %jit3A_158 : i32
      %sign3A = arith.constant 0 : i32
      %sign3A_159 = arith.cmpi sgt, %scan3A_151, %sign3A : i32
      %sign3A_160 = arith.extui %sign3A_159 : i1 to i32
      %sign3A_161 = arith.constant 0 : i32
      %sign3A_162 = arith.cmpi slt, %scan3A_151, %sign3A_161 : i32
      %sign3A_163 = arith.extui %sign3A_162 : i1 to i32
      %sign3A_164 = arith.subi %sign3A_160, %sign3A_163 : i32
      %sign3A_165 = arith.constant 0 : i32
      %sign3A_166 = arith.cmpi sgt, %jit3A_158, %sign3A_165 : i32
      %sign3A_167 = arith.extui %sign3A_166 : i1 to i32
      %sign3A_168 = arith.constant 0 : i32
      %sign3A_169 = arith.cmpi slt, %jit3A_158, %sign3A_168 : i32
      %sign3A_170 = arith.extui %sign3A_169 : i1 to i32
      %sign3A_171 = arith.subi %sign3A_167, %sign3A_170 : i32
      %ne3A = arith.cmpi ne, %sign3A_164, %sign3A_171 : i32
      %rem3A = arith.remsi %scan3A_151, %jit3A_158 : i32
      %ne3A_172 = arith.constant 0 : i32
      %ne3A_173 = arith.cmpi ne, %rem3A, %ne3A_172 : i32
      %and3A_174 = arith.andi %ne3A, %ne3A_173 : i1
      %sub3A_175 = arith.constant 1 : i32
      %sub3A_176 = arith.subi %div3A, %sub3A_175 : i32
      %select_n3A_177 = arith.select %and3A_174, %sub3A_176, %div3A : i32
      %mul3A_178 = arith.constant 16 : i32
      %mul3A_179 = arith.muli %select_n3A_177, %mul3A_178 : i32
      %get3A_180 = arith.index_cast %mul3A_179 : i32 to index
      %get3A_181 = tpu.vector_load %arg24[%get3A_180] {strides = array<i32>} : memref<50xi32, #tpu.memory_space<vmem>>, vector<16xi32>,
      %jit3A_182 = arith.constant 4 : i32
      %eq3A_183 = arith.constant 0 : i32
      %eq3A_184 = arith.cmpi eq, %jit3A_182, %eq3A_183 : i32
      %jit3A_185 = arith.constant 1 : i32
      %select_n3A_186 = arith.select %eq3A_184, %jit3A_185, %jit3A_182 : i32
      %rem3A_187 = arith.remsi %scan3A_151, %select_n3A_186 : i32
      %ne3A_188 = arith.constant 0 : i32
      %ne3A_189 = arith.cmpi ne, %rem3A_187, %ne3A_188 : i32
      %lt3A_190 = arith.constant 0 : i32
      %lt3A_191 = arith.cmpi slt, %rem3A_187, %lt3A_190 : i32
      %lt3A_192 = arith.constant 0 : i32
      %lt3A_193 = arith.cmpi slt, %select_n3A_186, %lt3A_192 : i32
      %ne3A_194 = arith.xori %lt3A_191, %lt3A_193 : i1
      %and3A_195 = arith.andi %ne3A_194, %ne3A_189 : i1
      %add3A_196 = arith.addi %rem3A_187, %select_n3A_186 : i32
      %select_n3A_197 = arith.select %and3A_195, %add3A_196, %rem3A_187 : i32
      %mul3A_198 = arith.constant 4 : i32
      %mul3A_199 = arith.muli %mul3A_198, %select_n3A_197 : i32
      %add3A_200 = vector.broadcast %mul3A_199 : i32 to vector<16xi32>
      %add3A_201 = arith.addi %add3A_200, %shift_right_arithmetic3A_83 : vector<16xi32>
      %lt3A_202 = arith.constant 0 : i32
      %lt3A_203 = vector.broadcast %lt3A_202 : i32 to vector<16xi32>
      %lt3A_204 = arith.cmpi slt, %add3A_201, %lt3A_203 : vector<16xi32>
      %add3A_205 = arith.constant 16 : i32
      %add3A_206 = vector.broadcast %add3A_205 : i32 to vector<16xi32>
      %add3A_207 = arith.addi %add3A_201, %add3A_206 : vector<16xi32>
      %select_n3A_208 = arith.select %lt3A_204, %add3A_207, %add3A_201 : vector<16xi1>, vector<16xi32>
      %broadcast_in_dim3A_209 = vector.shape_cast %select_n3A_208 : vector<16xi32> to vector<16x1xi32>
      %gather3A_210 = vector.shape_cast %broadcast_in_dim3A_209 : vector<16x1xi32> to vector<16xi32>
      %gather3A_211 = tpu.dynamic_gather %get3A_181[%gather3A_210] in [0] : vector<16xi32>, vector<16xi32> -> vector<16xi32>
      %shift_right_arithmetic3A_212 = arith.shrsi %gather3A_211, %mul3A_87 : vector<16xi32>
      %and3A_213 = arith.constant 1 : i32
      %and3A_214 = vector.broadcast %and3A_213 : i32 to vector<16xi32>
      %and3A_215 = arith.andi %shift_right_arithmetic3A_212, %and3A_214 : vector<16xi32>
      %convert_element_type3A_216 = arith.sitofp %and3A_215 : vector<16xi32> to vector<16xf32>
      %sub3A_217 = arith.constant 1.000000e+00 : f32
      %sub3A_218 = vector.broadcast %sub3A_217 : f32 to vector<16xf32>
      %sub3A_219 = arith.subf %sub3A_218, %convert_element_type3A_216 : vector<16xf32>
      %get3A_220 = arith.index_cast %mul3A_157 : i32 to index
      %get3A_221 = tpu.vector_load %arg18[%get3A_220] {strides = array<i32>} : memref<200xf32, #tpu.memory_space<vmem>>, vector<16xf32>,
      %get3A_222 = arith.index_cast %mul3A_157 : i32 to index
      %get3A_223 = tpu.vector_load %arg19[%get3A_222] {strides = array<i32>} : memref<200xf32, #tpu.memory_space<vmem>>, vector<16xf32>,
      %sub3A_224 = arith.subf %get3A_221, %get3A_223 : vector<16xf32>
      %get3A_225 = arith.index_cast %mul3A_157 : i32 to index
      %get3A_226 = tpu.vector_load %arg20[%get3A_225] {strides = array<i32>} : memref<200xf32, #tpu.memory_space<vmem>>, vector<16xf32>,
      %get3A_227 = arith.index_cast %mul3A_157 : i32 to index
      %get3A_228 = tpu.vector_load %arg21[%get3A_227] {strides = array<i32>} : memref<200xf32, #tpu.memory_space<vmem>>, vector<16xf32>,
      %sub3A_229 = arith.subf %get3A_226, %get3A_228 : vector<16xf32>
      %get3A_230 = arith.index_cast %mul3A_157 : i32 to index
      %get3A_231 = tpu.vector_load %arg22[%get3A_230] {strides = array<i32>} : memref<200xf32, #tpu.memory_space<vmem>>, vector<16xf32>,
      %get3A_232 = arith.index_cast %mul3A_157 : i32 to index
      %get3A_233 = tpu.vector_load %arg23[%get3A_232] {strides = array<i32>} : memref<200xf32, #tpu.memory_space<vmem>>, vector<16xf32>,
      %sub3A_234 = arith.subf %get3A_231, %get3A_233 : vector<16xf32>
      %mul3A_235 = arith.mulf %sub3A_224, %sub3A_224 : vector<16xf32>
      %mul3A_236 = arith.mulf %mul3A_235, %sub3A_219 : vector<16xf32>
      %add3A_237 = arith.addf %scan3A_152, %mul3A_236 : vector<16xf32>
      %mul3A_238 = arith.mulf %sub3A_229, %sub3A_229 : vector<16xf32>
      %mul3A_239 = arith.mulf %mul3A_238, %sub3A_219 : vector<16xf32>
      %add3A_240 = arith.addf %scan3A_153, %mul3A_239 : vector<16xf32>
      %mul3A_241 = arith.mulf %sub3A_234, %sub3A_234 : vector<16xf32>
      %mul3A_242 = arith.mulf %mul3A_241, %sub3A_219 : vector<16xf32>
      %add3A_243 = arith.addf %scan3A_154, %mul3A_242 : vector<16xf32>
      %add3A_244 = arith.addf %scan3A_155, %sub3A_219 : vector<16xf32>
      scf.yield %add3A_237, %add3A_240, %add3A_243, %add3A_244 : vector<16xf32>, vector<16xf32>, vector<16xf32>, vector<16xf32>
    }
    %scan3A_93 = arith.constant 12 : i32
    %get3A = arith.constant 34 : index
    %get3A_94 = tpu.vector_load %arg24[%get3A] {strides = array<i32>} : memref<50xi32, #tpu.memory_space<vmem>>, vector<16xi32>,
    %add3A = arith.constant 12 : i32
    %add3A_95 = vector.broadcast %add3A : i32 to vector<16xi32>
    %add3A_96 = arith.addi %add3A_95, %shift_right_arithmetic3A_83 : vector<16xi32>
    %lt3A = arith.constant 0 : i32
    %lt3A_97 = vector.broadcast %lt3A : i32 to vector<16xi32>
    %lt3A_98 = arith.cmpi slt, %add3A_96, %lt3A_97 : vector<16xi32>
    %add3A_99 = arith.constant 16 : i32
    %add3A_100 = vector.broadcast %add3A_99 : i32 to vector<16xi32>
    %add3A_101 = arith.addi %add3A_96, %add3A_100 : vector<16xi32>
    %select_n3A = arith.select %lt3A_98, %add3A_101, %add3A_96 : vector<16xi1>, vector<16xi32>
    %broadcast_in_dim3A_102 = vector.shape_cast %select_n3A : vector<16xi32> to vector<16x1xi32>
    %gather3A = vector.shape_cast %broadcast_in_dim3A_102 : vector<16x1xi32> to vector<16xi32>
    %gather3A_103 = tpu.dynamic_gather %get3A_94[%gather3A] in [0] : vector<16xi32>, vector<16xi32> -> vector<16xi32>
    %shift_right_arithmetic3A_104 = arith.shrsi %gather3A_103, %mul3A_87 : vector<16xi32>
    %and3A_105 = arith.constant 1 : i32
    %and3A_106 = vector.broadcast %and3A_105 : i32 to vector<16xi32>
    %and3A_107 = arith.andi %shift_right_arithmetic3A_104, %and3A_106 : vector<16xi32>
    %convert_element_type3A = arith.sitofp %and3A_107 : vector<16xi32> to vector<16xf32>
    %sub3A = arith.constant 1.000000e+00 : f32
    %sub3A_108 = vector.broadcast %sub3A : f32 to vector<16xf32>
    %sub3A_109 = arith.subf %sub3A_108, %convert_element_type3A : vector<16xf32>
    %ge3A = arith.constant 8 : i32
    %ge3A_110 = vector.broadcast %ge3A : i32 to vector<16xi32>
    %ge3A_111 = arith.cmpi sge, %iota3A, %ge3A_110 : vector<16xi32>
    %jit3A = arith.constant 0.000000e+00 : f32
    %broadcast_in_dim3A_112 = vector.broadcast %jit3A : f32 to vector<16xf32>
    %select_n3A_113 = arith.select %ge3A_111, %sub3A_109, %broadcast_in_dim3A_112 : vector<16xi1>, vector<16xf32>
    %get3A_114 = arith.constant 184 : index
    %get3A_115 = tpu.vector_load %arg18[%get3A_114] {strides = array<i32>} : memref<200xf32, #tpu.memory_space<vmem>>, vector<16xf32>,
    %get3A_116 = arith.constant 184 : index
    %get3A_117 = tpu.vector_load %arg19[%get3A_116] {strides = array<i32>} : memref<200xf32, #tpu.memory_space<vmem>>, vector<16xf32>,
    %sub3A_118 = arith.subf %get3A_115, %get3A_117 : vector<16xf32>
    %get3A_119 = arith.constant 184 : index
    %get3A_120 = tpu.vector_load %arg20[%get3A_119] {strides = array<i32>} : memref<200xf32, #tpu.memory_space<vmem>>, vector<16xf32>,
    %get3A_121 = arith.constant 184 : index
    %get3A_122 = tpu.vector_load %arg21[%get3A_121] {strides = array<i32>} : memref<200xf32, #tpu.memory_space<vmem>>, vector<16xf32>,
    %sub3A_123 = arith.subf %get3A_120, %get3A_122 : vector<16xf32>
    %get3A_124 = arith.constant 184 : index
    %get3A_125 = tpu.vector_load %arg22[%get3A_124] {strides = array<i32>} : memref<200xf32, #tpu.memory_space<vmem>>, vector<16xf32>,
    %get3A_126 = arith.constant 184 : index
    %get3A_127 = tpu.vector_load %arg23[%get3A_126] {strides = array<i32>} : memref<200xf32, #tpu.memory_space<vmem>>, vector<16xf32>,
    %sub3A_128 = arith.subf %get3A_125, %get3A_127 : vector<16xf32>
    %mul3A_129 = arith.mulf %sub3A_118, %sub3A_118 : vector<16xf32>
    %mul3A_130 = arith.mulf %mul3A_129, %select_n3A_113 : vector<16xf32>
    %add3A_131 = arith.addf %scan3A_92#0, %mul3A_130 : vector<16xf32>
    %mul3A_132 = arith.mulf %sub3A_123, %sub3A_123 : vector<16xf32>
    %mul3A_133 = arith.mulf %mul3A_132, %select_n3A_113 : vector<16xf32>
    %add3A_134 = arith.addf %scan3A_92#1, %mul3A_133 : vector<16xf32>
    %mul3A_135 = arith.mulf %sub3A_128, %sub3A_128 : vector<16xf32>
    %mul3A_136 = arith.mulf %mul3A_135, %select_n3A_113 : vector<16xf32>
    %add3A_137 = arith.addf %scan3A_92#2, %mul3A_136 : vector<16xf32>
    %add3A_138 = arith.addf %scan3A_92#3, %select_n3A_113 : vector<16xf32>
    %swap3A = arith.constant 0 : index
    %swap3A_139 = tpu.vector_load %arg25[%swap3A] {strides = array<i32>} : memref<64xf32, #tpu.memory_space<vmem>>, vector<16xf32>,
    tpu.vector_store %arg25[%swap3A], %add3A_131 {strides = array<i32>} : memref<64xf32, #tpu.memory_space<vmem>>, vector<16xf32>,
    %swap3A_140 = arith.constant 16 : index
    %swap3A_141 = tpu.vector_load %arg25[%swap3A_140] {strides = array<i32>} : memref<64xf32, #tpu.memory_space<vmem>>, vector<16xf32>,
    tpu.vector_store %arg25[%swap3A_140], %add3A_134 {strides = array<i32>} : memref<64xf32, #tpu.memory_space<vmem>>, vector<16xf32>,
    %swap3A_142 = arith.constant 32 : index
    %swap3A_143 = tpu.vector_load %arg25[%swap3A_142] {strides = array<i32>} : memref<64xf32, #tpu.memory_space<vmem>>, vector<16xf32>,
    tpu.vector_store %arg25[%swap3A_142], %add3A_137 {strides = array<i32>} : memref<64xf32, #tpu.memory_space<vmem>>, vector<16xf32>,
    %swap3A_144 = arith.constant 48 : index
    %swap3A_145 = tpu.vector_load %arg25[%swap3A_144] {strides = array<i32>} : memref<64xf32, #tpu.memory_space<vmem>>, vector<16xf32>,
    tpu.vector_store %arg25[%swap3A_144], %add3A_138 {strides = array<i32>} : memref<64xf32, #tpu.memory_space<vmem>>, vector<16xf32>,
    %mul3A_146 = arith.constant 64 : i32
    %mul3A_147 = arith.muli %arg1, %mul3A_146 : i32
    "tpu.region"() ({
      %run_scoped3A = tpu.sem_alloc : memref<!tpu.dma_semaphore, #tpu.memory_space<semaphore_mem>>
      %dma_start3A_151 = tpu.memref_slice %arg26[%mul3A_147] : memref<1024xf32, #tpu.memory_space<vmem_shared>> -> memref<64xf32, #tpu.memory_space<vmem_shared>>
      %dma_start3A_152 = tpu.memref_slice %arg26[%mul3A_147] : memref<1024xf32, #tpu.memory_space<vmem_shared>> -> memref<64xf32, #tpu.memory_space<vmem_shared>>
      tpu.enqueue_dma source(%arg25 : memref<64xf32, #tpu.memory_space<vmem>>) target(%dma_start3A_152 : memref<64xf32, #tpu.memory_space<vmem_shared>>) target_semaphore(%run_scoped3A : memref<!tpu.dma_semaphore, #tpu.memory_space<semaphore_mem>>)
      %dma_wait3A_153 = tpu.memref_slice %arg26[%mul3A_147] : memref<1024xf32, #tpu.memory_space<vmem_shared>> -> memref<64xf32, #tpu.memory_space<vmem_shared>>
      %dma_wait3A_154 = tpu.memref_slice %arg26[%mul3A_147] : memref<1024xf32, #tpu.memory_space<vmem_shared>> -> memref<64xf32, #tpu.memory_space<vmem_shared>>
      tpu.wait_dma2 semaphore(%run_scoped3A : memref<!tpu.dma_semaphore, #tpu.memory_space<semaphore_mem>>) src(%arg25 : memref<64xf32, #tpu.memory_space<vmem>>) dst(%dma_wait3A_154 : memref<64xf32, #tpu.memory_space<vmem_shared>>)
      tpu.yield
    }) : () -> ()
    %barrier3A = arith.constant 0 : index
    tpu.barrier barrier_id(%barrier3A)
    %eq3A = arith.constant 0 : i32
    %eq3A_148 = arith.cmpi eq, %arg1, %eq3A : i32
    %convert_element_type3A_149 = arith.extui %eq3A_148 : i1 to i32
    %cond3A = arith.constant 0 : i32
    %cond3A_150 = arith.cmpi ne, %convert_element_type3A_149, %cond3A : i32
    scf.if %cond3A_150 {
      "tpu.region"() ({
        %run_scoped3A = tpu.sem_alloc : memref<!tpu.dma_semaphore, #tpu.memory_space<semaphore_mem>>
        tpu.enqueue_dma source(%arg26 : memref<1024xf32, #tpu.memory_space<vmem_shared>>) target(%arg27 : memref<1024xf32, #tpu.memory_space<vmem>>) target_semaphore(%run_scoped3A : memref<!tpu.dma_semaphore, #tpu.memory_space<semaphore_mem>>)
        tpu.wait_dma2 semaphore(%run_scoped3A : memref<!tpu.dma_semaphore, #tpu.memory_space<semaphore_mem>>) src(%arg26 : memref<1024xf32, #tpu.memory_space<vmem_shared>>) dst(%arg27 : memref<1024xf32, #tpu.memory_space<vmem>>)
        tpu.yield
      }) : () -> ()
      %scan3A_151 = arith.constant 0 : i32
      %scan3A_152 = arith.constant 16 : i32
      %scan3A_153 = arith.addi %scan3A_151, %scan3A_152 : i32
      %scan3A_154 = arith.constant 1 : i32
      %scan3A_155:4 = scf.for %scan3A_631 = %scan3A_151 to %scan3A_153 step %scan3A_154 iter_args(%scan3A_632 = %broadcast_in_dim3A_88, %scan3A_633 = %broadcast_in_dim3A_88, %scan3A_634 = %broadcast_in_dim3A_88, %scan3A_635 = %broadcast_in_dim3A_88) -> (vector<16xf32>, vector<16xf32>, vector<16xf32>, vector<16xf32>)  : i32 {
        %mul3A_636 = arith.constant 64 : i32
        %mul3A_637 = arith.muli %scan3A_631, %mul3A_636 : i32
        %get3A_638 = arith.index_cast %mul3A_637 : i32 to index
        %get3A_639 = tpu.vector_load %arg27[%get3A_638] {strides = array<i32>} : memref<1024xf32, #tpu.memory_space<vmem>>, vector<16xf32>,
        %add3A_640 = arith.addf %scan3A_632, %get3A_639 : vector<16xf32>
        %mul3A_641 = arith.constant 64 : i32
        %mul3A_642 = arith.muli %scan3A_631, %mul3A_641 : i32
        %add3A_643 = arith.constant 16 : i32
        %add3A_644 = arith.addi %mul3A_642, %add3A_643 : i32
        %get3A_645 = arith.index_cast %add3A_644 : i32 to index
        %get3A_646 = tpu.vector_load %arg27[%get3A_645] {strides = array<i32>} : memref<1024xf32, #tpu.memory_space<vmem>>, vector<16xf32>,
        %add3A_647 = arith.addf %scan3A_633, %get3A_646 : vector<16xf32>
        %mul3A_648 = arith.constant 64 : i32
        %mul3A_649 = arith.muli %scan3A_631, %mul3A_648 : i32
        %add3A_650 = arith.constant 32 : i32
        %add3A_651 = arith.addi %mul3A_649, %add3A_650 : i32
        %get3A_652 = arith.index_cast %add3A_651 : i32 to index
        %get3A_653 = tpu.vector_load %arg27[%get3A_652] {strides = array<i32>} : memref<1024xf32, #tpu.memory_space<vmem>>, vector<16xf32>,
        %add3A_654 = arith.addf %scan3A_634, %get3A_653 : vector<16xf32>
        %mul3A_655 = arith.constant 64 : i32
        %mul3A_656 = arith.muli %scan3A_631, %mul3A_655 : i32
        %add3A_657 = arith.constant 48 : i32
        %add3A_658 = arith.addi %mul3A_656, %add3A_657 : i32
        %get3A_659 = arith.index_cast %add3A_658 : i32 to index
        %get3A_660 = tpu.vector_load %arg27[%get3A_659] {strides = array<i32>} : memref<1024xf32, #tpu.memory_space<vmem>>, vector<16xf32>,
        %add3A_661 = arith.addf %scan3A_635, %get3A_660 : vector<16xf32>
        scf.yield %add3A_640, %add3A_647, %add3A_654, %add3A_661 : vector<16xf32>, vector<16xf32>, vector<16xf32>, vector<16xf32>
      }
      %scan3A_156 = arith.constant 16 : i32
      %xor3A = arith.constant 8 : i32
      %xor3A_157 = vector.broadcast %xor3A : i32 to vector<16xi32>
      %xor3A_158 = arith.xori %iota3A, %xor3A_157 : vector<16xi32>
      %lt3A_159 = arith.constant 0 : i32
      %lt3A_160 = vector.broadcast %lt3A_159 : i32 to vector<16xi32>
      %lt3A_161 = arith.cmpi slt, %xor3A_158, %lt3A_160 : vector<16xi32>
      %add3A_162 = arith.constant 16 : i32
      %add3A_163 = vector.broadcast %add3A_162 : i32 to vector<16xi32>
      %add3A_164 = arith.addi %xor3A_158, %add3A_163 : vector<16xi32>
      %select_n3A_165 = arith.select %lt3A_161, %add3A_164, %xor3A_158 : vector<16xi1>, vector<16xi32>
      %broadcast_in_dim3A_166 = vector.shape_cast %select_n3A_165 : vector<16xi32> to vector<16x1xi32>
      %gather3A_167 = vector.shape_cast %broadcast_in_dim3A_166 : vector<16x1xi32> to vector<16xi32>
      %gather3A_168 = tpu.dynamic_gather %scan3A_155#3[%gather3A_167] in [0] : vector<16xf32>, vector<16xi32> -> vector<16xf32>
      %add3A_169 = arith.addf %scan3A_155#3, %gather3A_168 : vector<16xf32>
      %xor3A_170 = arith.constant 4 : i32
      %xor3A_171 = vector.broadcast %xor3A_170 : i32 to vector<16xi32>
      %xor3A_172 = arith.xori %iota3A, %xor3A_171 : vector<16xi32>
      %lt3A_173 = arith.constant 0 : i32
      %lt3A_174 = vector.broadcast %lt3A_173 : i32 to vector<16xi32>
      %lt3A_175 = arith.cmpi slt, %xor3A_172, %lt3A_174 : vector<16xi32>
      %add3A_176 = arith.constant 16 : i32
      %add3A_177 = vector.broadcast %add3A_176 : i32 to vector<16xi32>
      %add3A_178 = arith.addi %xor3A_172, %add3A_177 : vector<16xi32>
      %select_n3A_179 = arith.select %lt3A_175, %add3A_178, %xor3A_172 : vector<16xi1>, vector<16xi32>
      %broadcast_in_dim3A_180 = vector.shape_cast %select_n3A_179 : vector<16xi32> to vector<16x1xi32>
      %gather3A_181 = vector.shape_cast %broadcast_in_dim3A_180 : vector<16x1xi32> to vector<16xi32>
      %gather3A_182 = tpu.dynamic_gather %add3A_169[%gather3A_181] in [0] : vector<16xf32>, vector<16xi32> -> vector<16xf32>
      %add3A_183 = arith.addf %add3A_169, %gather3A_182 : vector<16xf32>
      %xor3A_184 = arith.constant 2 : i32
      %xor3A_185 = vector.broadcast %xor3A_184 : i32 to vector<16xi32>
      %xor3A_186 = arith.xori %iota3A, %xor3A_185 : vector<16xi32>
      %lt3A_187 = arith.constant 0 : i32
      %lt3A_188 = vector.broadcast %lt3A_187 : i32 to vector<16xi32>
      %lt3A_189 = arith.cmpi slt, %xor3A_186, %lt3A_188 : vector<16xi32>
      %add3A_190 = arith.constant 16 : i32
      %add3A_191 = vector.broadcast %add3A_190 : i32 to vector<16xi32>
      %add3A_192 = arith.addi %xor3A_186, %add3A_191 : vector<16xi32>
      %select_n3A_193 = arith.select %lt3A_189, %add3A_192, %xor3A_186 : vector<16xi1>, vector<16xi32>
      %broadcast_in_dim3A_194 = vector.shape_cast %select_n3A_193 : vector<16xi32> to vector<16x1xi32>
      %gather3A_195 = vector.shape_cast %broadcast_in_dim3A_194 : vector<16x1xi32> to vector<16xi32>
      %gather3A_196 = tpu.dynamic_gather %add3A_183[%gather3A_195] in [0] : vector<16xf32>, vector<16xi32> -> vector<16xf32>
      %add3A_197 = arith.addf %add3A_183, %gather3A_196 : vector<16xf32>
      %xor3A_198 = arith.constant 1 : i32
      %xor3A_199 = vector.broadcast %xor3A_198 : i32 to vector<16xi32>
      %xor3A_200 = arith.xori %iota3A, %xor3A_199 : vector<16xi32>
      %lt3A_201 = arith.constant 0 : i32
      %lt3A_202 = vector.broadcast %lt3A_201 : i32 to vector<16xi32>
      %lt3A_203 = arith.cmpi slt, %xor3A_200, %lt3A_202 : vector<16xi32>
      %add3A_204 = arith.constant 16 : i32
      %add3A_205 = vector.broadcast %add3A_204 : i32 to vector<16xi32>
      %add3A_206 = arith.addi %xor3A_200, %add3A_205 : vector<16xi32>
      %select_n3A_207 = arith.select %lt3A_203, %add3A_206, %xor3A_200 : vector<16xi1>, vector<16xi32>
      %broadcast_in_dim3A_208 = vector.shape_cast %select_n3A_207 : vector<16xi32> to vector<16x1xi32>
      %gather3A_209 = vector.shape_cast %broadcast_in_dim3A_208 : vector<16x1xi32> to vector<16xi32>
      %gather3A_210 = tpu.dynamic_gather %add3A_197[%gather3A_209] in [0] : vector<16xf32>, vector<16xi32> -> vector<16xf32>
      %add3A_211 = arith.addf %add3A_197, %gather3A_210 : vector<16xf32>
      %max3A = arith.constant 1.000000e+00 : f32
      %max3A_212 = vector.broadcast %max3A : f32 to vector<16xf32>
      %max3A_213 = arith.maximumf %add3A_211, %max3A_212 : vector<16xf32>
      %div3A = arith.constant 1.000000e+00 : f32
      %div3A_214 = vector.broadcast %div3A : f32 to vector<16xf32>
      %div3A_215 = arith.divf %div3A_214, %max3A_213 : vector<16xf32>
      %xor3A_216 = arith.constant 8 : i32
      %xor3A_217 = vector.broadcast %xor3A_216 : i32 to vector<16xi32>
      %xor3A_218 = arith.xori %iota3A, %xor3A_217 : vector<16xi32>
      %lt3A_219 = arith.constant 0 : i32
      %lt3A_220 = vector.broadcast %lt3A_219 : i32 to vector<16xi32>
      %lt3A_221 = arith.cmpi slt, %xor3A_218, %lt3A_220 : vector<16xi32>
      %add3A_222 = arith.constant 16 : i32
      %add3A_223 = vector.broadcast %add3A_222 : i32 to vector<16xi32>
      %add3A_224 = arith.addi %xor3A_218, %add3A_223 : vector<16xi32>
      %select_n3A_225 = arith.select %lt3A_221, %add3A_224, %xor3A_218 : vector<16xi1>, vector<16xi32>
      %broadcast_in_dim3A_226 = vector.shape_cast %select_n3A_225 : vector<16xi32> to vector<16x1xi32>
      %gather3A_227 = vector.shape_cast %broadcast_in_dim3A_226 : vector<16x1xi32> to vector<16xi32>
      %gather3A_228 = tpu.dynamic_gather %scan3A_155#0[%gather3A_227] in [0] : vector<16xf32>, vector<16xi32> -> vector<16xf32>
      %add3A_229 = arith.addf %scan3A_155#0, %gather3A_228 : vector<16xf32>
      %xor3A_230 = arith.constant 4 : i32
      %xor3A_231 = vector.broadcast %xor3A_230 : i32 to vector<16xi32>
      %xor3A_232 = arith.xori %iota3A, %xor3A_231 : vector<16xi32>
      %lt3A_233 = arith.constant 0 : i32
      %lt3A_234 = vector.broadcast %lt3A_233 : i32 to vector<16xi32>
      %lt3A_235 = arith.cmpi slt, %xor3A_232, %lt3A_234 : vector<16xi32>
      %add3A_236 = arith.constant 16 : i32
      %add3A_237 = vector.broadcast %add3A_236 : i32 to vector<16xi32>
      %add3A_238 = arith.addi %xor3A_232, %add3A_237 : vector<16xi32>
      %select_n3A_239 = arith.select %lt3A_235, %add3A_238, %xor3A_232 : vector<16xi1>, vector<16xi32>
      %broadcast_in_dim3A_240 = vector.shape_cast %select_n3A_239 : vector<16xi32> to vector<16x1xi32>
      %gather3A_241 = vector.shape_cast %broadcast_in_dim3A_240 : vector<16x1xi32> to vector<16xi32>
      %gather3A_242 = tpu.dynamic_gather %add3A_229[%gather3A_241] in [0] : vector<16xf32>, vector<16xi32> -> vector<16xf32>
      %add3A_243 = arith.addf %add3A_229, %gather3A_242 : vector<16xf32>
      %xor3A_244 = arith.constant 2 : i32
      %xor3A_245 = vector.broadcast %xor3A_244 : i32 to vector<16xi32>
      %xor3A_246 = arith.xori %iota3A, %xor3A_245 : vector<16xi32>
      %lt3A_247 = arith.constant 0 : i32
      %lt3A_248 = vector.broadcast %lt3A_247 : i32 to vector<16xi32>
      %lt3A_249 = arith.cmpi slt, %xor3A_246, %lt3A_248 : vector<16xi32>
      %add3A_250 = arith.constant 16 : i32
      %add3A_251 = vector.broadcast %add3A_250 : i32 to vector<16xi32>
      %add3A_252 = arith.addi %xor3A_246, %add3A_251 : vector<16xi32>
      %select_n3A_253 = arith.select %lt3A_249, %add3A_252, %xor3A_246 : vector<16xi1>, vector<16xi32>
      %broadcast_in_dim3A_254 = vector.shape_cast %select_n3A_253 : vector<16xi32> to vector<16x1xi32>
      %gather3A_255 = vector.shape_cast %broadcast_in_dim3A_254 : vector<16x1xi32> to vector<16xi32>
      %gather3A_256 = tpu.dynamic_gather %add3A_243[%gather3A_255] in [0] : vector<16xf32>, vector<16xi32> -> vector<16xf32>
      %add3A_257 = arith.addf %add3A_243, %gather3A_256 : vector<16xf32>
      %xor3A_258 = arith.constant 1 : i32
      %xor3A_259 = vector.broadcast %xor3A_258 : i32 to vector<16xi32>
      %xor3A_260 = arith.xori %iota3A, %xor3A_259 : vector<16xi32>
      %lt3A_261 = arith.constant 0 : i32
      %lt3A_262 = vector.broadcast %lt3A_261 : i32 to vector<16xi32>
      %lt3A_263 = arith.cmpi slt, %xor3A_260, %lt3A_262 : vector<16xi32>
      %add3A_264 = arith.constant 16 : i32
      %add3A_265 = vector.broadcast %add3A_264 : i32 to vector<16xi32>
      %add3A_266 = arith.addi %xor3A_260, %add3A_265 : vector<16xi32>
      %select_n3A_267 = arith.select %lt3A_263, %add3A_266, %xor3A_260 : vector<16xi1>, vector<16xi32>
      %broadcast_in_dim3A_268 = vector.shape_cast %select_n3A_267 : vector<16xi32> to vector<16x1xi32>
      %gather3A_269 = vector.shape_cast %broadcast_in_dim3A_268 : vector<16x1xi32> to vector<16xi32>
      %gather3A_270 = tpu.dynamic_gather %add3A_257[%gather3A_269] in [0] : vector<16xf32>, vector<16xi32> -> vector<16xf32>
      %add3A_271 = arith.addf %add3A_257, %gather3A_270 : vector<16xf32>
      %mul3A_272 = arith.constant 5.000000e-01 : f32
      %mul3A_273 = vector.broadcast %mul3A_272 : f32 to vector<16xf32>
      %mul3A_274 = arith.mulf %mul3A_273, %add3A_271 : vector<16xf32>
      %mul3A_275 = arith.mulf %mul3A_274, %div3A_215 : vector<16xf32>
      %xor3A_276 = arith.constant 8 : i32
      %xor3A_277 = vector.broadcast %xor3A_276 : i32 to vector<16xi32>
      %xor3A_278 = arith.xori %iota3A, %xor3A_277 : vector<16xi32>
      %lt3A_279 = arith.constant 0 : i32
      %lt3A_280 = vector.broadcast %lt3A_279 : i32 to vector<16xi32>
      %lt3A_281 = arith.cmpi slt, %xor3A_278, %lt3A_280 : vector<16xi32>
      %add3A_282 = arith.constant 16 : i32
      %add3A_283 = vector.broadcast %add3A_282 : i32 to vector<16xi32>
      %add3A_284 = arith.addi %xor3A_278, %add3A_283 : vector<16xi32>
      %select_n3A_285 = arith.select %lt3A_281, %add3A_284, %xor3A_278 : vector<16xi1>, vector<16xi32>
      %broadcast_in_dim3A_286 = vector.shape_cast %select_n3A_285 : vector<16xi32> to vector<16x1xi32>
      %gather3A_287 = vector.shape_cast %broadcast_in_dim3A_286 : vector<16x1xi32> to vector<16xi32>
      %gather3A_288 = tpu.dynamic_gather %scan3A_155#1[%gather3A_287] in [0] : vector<16xf32>, vector<16xi32> -> vector<16xf32>
      %add3A_289 = arith.addf %scan3A_155#1, %gather3A_288 : vector<16xf32>
      %xor3A_290 = arith.constant 4 : i32
      %xor3A_291 = vector.broadcast %xor3A_290 : i32 to vector<16xi32>
      %xor3A_292 = arith.xori %iota3A, %xor3A_291 : vector<16xi32>
      %lt3A_293 = arith.constant 0 : i32
      %lt3A_294 = vector.broadcast %lt3A_293 : i32 to vector<16xi32>
      %lt3A_295 = arith.cmpi slt, %xor3A_292, %lt3A_294 : vector<16xi32>
      %add3A_296 = arith.constant 16 : i32
      %add3A_297 = vector.broadcast %add3A_296 : i32 to vector<16xi32>
      %add3A_298 = arith.addi %xor3A_292, %add3A_297 : vector<16xi32>
      %select_n3A_299 = arith.select %lt3A_295, %add3A_298, %xor3A_292 : vector<16xi1>, vector<16xi32>
      %broadcast_in_dim3A_300 = vector.shape_cast %select_n3A_299 : vector<16xi32> to vector<16x1xi32>
      %gather3A_301 = vector.shape_cast %broadcast_in_dim3A_300 : vector<16x1xi32> to vector<16xi32>
      %gather3A_302 = tpu.dynamic_gather %add3A_289[%gather3A_301] in [0] : vector<16xf32>, vector<16xi32> -> vector<16xf32>
      %add3A_303 = arith.addf %add3A_289, %gather3A_302 : vector<16xf32>
      %xor3A_304 = arith.constant 2 : i32
      %xor3A_305 = vector.broadcast %xor3A_304 : i32 to vector<16xi32>
      %xor3A_306 = arith.xori %iota3A, %xor3A_305 : vector<16xi32>
      %lt3A_307 = arith.constant 0 : i32
      %lt3A_308 = vector.broadcast %lt3A_307 : i32 to vector<16xi32>
      %lt3A_309 = arith.cmpi slt, %xor3A_306, %lt3A_308 : vector<16xi32>
      %add3A_310 = arith.constant 16 : i32
      %add3A_311 = vector.broadcast %add3A_310 : i32 to vector<16xi32>
      %add3A_312 = arith.addi %xor3A_306, %add3A_311 : vector<16xi32>
      %select_n3A_313 = arith.select %lt3A_309, %add3A_312, %xor3A_306 : vector<16xi1>, vector<16xi32>
      %broadcast_in_dim3A_314 = vector.shape_cast %select_n3A_313 : vector<16xi32> to vector<16x1xi32>
      %gather3A_315 = vector.shape_cast %broadcast_in_dim3A_314 : vector<16x1xi32> to vector<16xi32>
      %gather3A_316 = tpu.dynamic_gather %add3A_303[%gather3A_315] in [0] : vector<16xf32>, vector<16xi32> -> vector<16xf32>
      %add3A_317 = arith.addf %add3A_303, %gather3A_316 : vector<16xf32>
      %xor3A_318 = arith.constant 1 : i32
      %xor3A_319 = vector.broadcast %xor3A_318 : i32 to vector<16xi32>
      %xor3A_320 = arith.xori %iota3A, %xor3A_319 : vector<16xi32>
      %lt3A_321 = arith.constant 0 : i32
      %lt3A_322 = vector.broadcast %lt3A_321 : i32 to vector<16xi32>
      %lt3A_323 = arith.cmpi slt, %xor3A_320, %lt3A_322 : vector<16xi32>
      %add3A_324 = arith.constant 16 : i32
      %add3A_325 = vector.broadcast %add3A_324 : i32 to vector<16xi32>
      %add3A_326 = arith.addi %xor3A_320, %add3A_325 : vector<16xi32>
      %select_n3A_327 = arith.select %lt3A_323, %add3A_326, %xor3A_320 : vector<16xi1>, vector<16xi32>
      %broadcast_in_dim3A_328 = vector.shape_cast %select_n3A_327 : vector<16xi32> to vector<16x1xi32>
      %gather3A_329 = vector.shape_cast %broadcast_in_dim3A_328 : vector<16x1xi32> to vector<16xi32>
      %gather3A_330 = tpu.dynamic_gather %add3A_317[%gather3A_329] in [0] : vector<16xf32>, vector<16xi32> -> vector<16xf32>
      %add3A_331 = arith.addf %add3A_317, %gather3A_330 : vector<16xf32>
      %mul3A_332 = arith.constant 5.000000e-01 : f32
      %mul3A_333 = vector.broadcast %mul3A_332 : f32 to vector<16xf32>
      %mul3A_334 = arith.mulf %mul3A_333, %add3A_331 : vector<16xf32>
      %mul3A_335 = arith.mulf %mul3A_334, %div3A_215 : vector<16xf32>
      %xor3A_336 = arith.constant 8 : i32
      %xor3A_337 = vector.broadcast %xor3A_336 : i32 to vector<16xi32>
      %xor3A_338 = arith.xori %iota3A, %xor3A_337 : vector<16xi32>
      %lt3A_339 = arith.constant 0 : i32
      %lt3A_340 = vector.broadcast %lt3A_339 : i32 to vector<16xi32>
      %lt3A_341 = arith.cmpi slt, %xor3A_338, %lt3A_340 : vector<16xi32>
      %add3A_342 = arith.constant 16 : i32
      %add3A_343 = vector.broadcast %add3A_342 : i32 to vector<16xi32>
      %add3A_344 = arith.addi %xor3A_338, %add3A_343 : vector<16xi32>
      %select_n3A_345 = arith.select %lt3A_341, %add3A_344, %xor3A_338 : vector<16xi1>, vector<16xi32>
      %broadcast_in_dim3A_346 = vector.shape_cast %select_n3A_345 : vector<16xi32> to vector<16x1xi32>
      %gather3A_347 = vector.shape_cast %broadcast_in_dim3A_346 : vector<16x1xi32> to vector<16xi32>
      %gather3A_348 = tpu.dynamic_gather %scan3A_155#2[%gather3A_347] in [0] : vector<16xf32>, vector<16xi32> -> vector<16xf32>
      %add3A_349 = arith.addf %scan3A_155#2, %gather3A_348 : vector<16xf32>
      %xor3A_350 = arith.constant 4 : i32
      %xor3A_351 = vector.broadcast %xor3A_350 : i32 to vector<16xi32>
      %xor3A_352 = arith.xori %iota3A, %xor3A_351 : vector<16xi32>
      %lt3A_353 = arith.constant 0 : i32
      %lt3A_354 = vector.broadcast %lt3A_353 : i32 to vector<16xi32>
      %lt3A_355 = arith.cmpi slt, %xor3A_352, %lt3A_354 : vector<16xi32>
      %add3A_356 = arith.constant 16 : i32
      %add3A_357 = vector.broadcast %add3A_356 : i32 to vector<16xi32>
      %add3A_358 = arith.addi %xor3A_352, %add3A_357 : vector<16xi32>
      %select_n3A_359 = arith.select %lt3A_355, %add3A_358, %xor3A_352 : vector<16xi1>, vector<16xi32>
      %broadcast_in_dim3A_360 = vector.shape_cast %select_n3A_359 : vector<16xi32> to vector<16x1xi32>
      %gather3A_361 = vector.shape_cast %broadcast_in_dim3A_360 : vector<16x1xi32> to vector<16xi32>
      %gather3A_362 = tpu.dynamic_gather %add3A_349[%gather3A_361] in [0] : vector<16xf32>, vector<16xi32> -> vector<16xf32>
      %add3A_363 = arith.addf %add3A_349, %gather3A_362 : vector<16xf32>
      %xor3A_364 = arith.constant 2 : i32
      %xor3A_365 = vector.broadcast %xor3A_364 : i32 to vector<16xi32>
      %xor3A_366 = arith.xori %iota3A, %xor3A_365 : vector<16xi32>
      %lt3A_367 = arith.constant 0 : i32
      %lt3A_368 = vector.broadcast %lt3A_367 : i32 to vector<16xi32>
      %lt3A_369 = arith.cmpi slt, %xor3A_366, %lt3A_368 : vector<16xi32>
      %add3A_370 = arith.constant 16 : i32
      %add3A_371 = vector.broadcast %add3A_370 : i32 to vector<16xi32>
      %add3A_372 = arith.addi %xor3A_366, %add3A_371 : vector<16xi32>
      %select_n3A_373 = arith.select %lt3A_369, %add3A_372, %xor3A_366 : vector<16xi1>, vector<16xi32>
      %broadcast_in_dim3A_374 = vector.shape_cast %select_n3A_373 : vector<16xi32> to vector<16x1xi32>
      %gather3A_375 = vector.shape_cast %broadcast_in_dim3A_374 : vector<16x1xi32> to vector<16xi32>
      %gather3A_376 = tpu.dynamic_gather %add3A_363[%gather3A_375] in [0] : vector<16xf32>, vector<16xi32> -> vector<16xf32>
      %add3A_377 = arith.addf %add3A_363, %gather3A_376 : vector<16xf32>
      %xor3A_378 = arith.constant 1 : i32
      %xor3A_379 = vector.broadcast %xor3A_378 : i32 to vector<16xi32>
      %xor3A_380 = arith.xori %iota3A, %xor3A_379 : vector<16xi32>
      %lt3A_381 = arith.constant 0 : i32
      %lt3A_382 = vector.broadcast %lt3A_381 : i32 to vector<16xi32>
      %lt3A_383 = arith.cmpi slt, %xor3A_380, %lt3A_382 : vector<16xi32>
      %add3A_384 = arith.constant 16 : i32
      %add3A_385 = vector.broadcast %add3A_384 : i32 to vector<16xi32>
      %add3A_386 = arith.addi %xor3A_380, %add3A_385 : vector<16xi32>
      %select_n3A_387 = arith.select %lt3A_383, %add3A_386, %xor3A_380 : vector<16xi1>, vector<16xi32>
      %broadcast_in_dim3A_388 = vector.shape_cast %select_n3A_387 : vector<16xi32> to vector<16x1xi32>
      %gather3A_389 = vector.shape_cast %broadcast_in_dim3A_388 : vector<16x1xi32> to vector<16xi32>
      %gather3A_390 = tpu.dynamic_gather %add3A_377[%gather3A_389] in [0] : vector<16xf32>, vector<16xi32> -> vector<16xf32>
      %add3A_391 = arith.addf %add3A_377, %gather3A_390 : vector<16xf32>
      %mul3A_392 = arith.mulf %add3A_391, %div3A_215 : vector<16xf32>
      %get3A_393 = arith.constant 0 : index
      %get3A_394 = tpu.vector_load %arg29[%get3A_393] {strides = array<i32>} : memref<16xi32, #tpu.memory_space<vmem>>, vector<16xi32>,
      %convert_element_type3A_395 = arith.sitofp %get3A_394 : vector<16xi32> to vector<16xf32>
      %get3A_396 = arith.constant 0 : index
      %get3A_397 = tpu.vector_load %arg28[%get3A_396] {strides = array<i32>} : memref<16xf32, #tpu.memory_space<vmem>>, vector<16xf32>,
      %sub3A_398 = arith.subf %get3A_397, %convert_element_type3A_395 : vector<16xf32>
      %abs3A = math.absf %sub3A_398 : vector<16xf32>
      %xor3A_399 = arith.constant 8 : i32
      %xor3A_400 = vector.broadcast %xor3A_399 : i32 to vector<16xi32>
      %xor3A_401 = arith.xori %iota3A, %xor3A_400 : vector<16xi32>
      %lt3A_402 = arith.constant 0 : i32
      %lt3A_403 = vector.broadcast %lt3A_402 : i32 to vector<16xi32>
      %lt3A_404 = arith.cmpi slt, %xor3A_401, %lt3A_403 : vector<16xi32>
      %add3A_405 = arith.constant 16 : i32
      %add3A_406 = vector.broadcast %add3A_405 : i32 to vector<16xi32>
      %add3A_407 = arith.addi %xor3A_401, %add3A_406 : vector<16xi32>
      %select_n3A_408 = arith.select %lt3A_404, %add3A_407, %xor3A_401 : vector<16xi1>, vector<16xi32>
      %broadcast_in_dim3A_409 = vector.shape_cast %select_n3A_408 : vector<16xi32> to vector<16x1xi32>
      %gather3A_410 = vector.shape_cast %broadcast_in_dim3A_409 : vector<16x1xi32> to vector<16xi32>
      %gather3A_411 = tpu.dynamic_gather %abs3A[%gather3A_410] in [0] : vector<16xf32>, vector<16xi32> -> vector<16xf32>
      %add3A_412 = arith.addf %abs3A, %gather3A_411 : vector<16xf32>
      %xor3A_413 = arith.constant 4 : i32
      %xor3A_414 = vector.broadcast %xor3A_413 : i32 to vector<16xi32>
      %xor3A_415 = arith.xori %iota3A, %xor3A_414 : vector<16xi32>
      %lt3A_416 = arith.constant 0 : i32
      %lt3A_417 = vector.broadcast %lt3A_416 : i32 to vector<16xi32>
      %lt3A_418 = arith.cmpi slt, %xor3A_415, %lt3A_417 : vector<16xi32>
      %add3A_419 = arith.constant 16 : i32
      %add3A_420 = vector.broadcast %add3A_419 : i32 to vector<16xi32>
      %add3A_421 = arith.addi %xor3A_415, %add3A_420 : vector<16xi32>
      %select_n3A_422 = arith.select %lt3A_418, %add3A_421, %xor3A_415 : vector<16xi1>, vector<16xi32>
      %broadcast_in_dim3A_423 = vector.shape_cast %select_n3A_422 : vector<16xi32> to vector<16x1xi32>
      %gather3A_424 = vector.shape_cast %broadcast_in_dim3A_423 : vector<16x1xi32> to vector<16xi32>
      %gather3A_425 = tpu.dynamic_gather %add3A_412[%gather3A_424] in [0] : vector<16xf32>, vector<16xi32> -> vector<16xf32>
      %add3A_426 = arith.addf %add3A_412, %gather3A_425 : vector<16xf32>
      %xor3A_427 = arith.constant 2 : i32
      %xor3A_428 = vector.broadcast %xor3A_427 : i32 to vector<16xi32>
      %xor3A_429 = arith.xori %iota3A, %xor3A_428 : vector<16xi32>
      %lt3A_430 = arith.constant 0 : i32
      %lt3A_431 = vector.broadcast %lt3A_430 : i32 to vector<16xi32>
      %lt3A_432 = arith.cmpi slt, %xor3A_429, %lt3A_431 : vector<16xi32>
      %add3A_433 = arith.constant 16 : i32
      %add3A_434 = vector.broadcast %add3A_433 : i32 to vector<16xi32>
      %add3A_435 = arith.addi %xor3A_429, %add3A_434 : vector<16xi32>
      %select_n3A_436 = arith.select %lt3A_432, %add3A_435, %xor3A_429 : vector<16xi1>, vector<16xi32>
      %broadcast_in_dim3A_437 = vector.shape_cast %select_n3A_436 : vector<16xi32> to vector<16x1xi32>
      %gather3A_438 = vector.shape_cast %broadcast_in_dim3A_437 : vector<16x1xi32> to vector<16xi32>
      %gather3A_439 = tpu.dynamic_gather %add3A_426[%gather3A_438] in [0] : vector<16xf32>, vector<16xi32> -> vector<16xf32>
      %add3A_440 = arith.addf %add3A_426, %gather3A_439 : vector<16xf32>
      %xor3A_441 = arith.constant 1 : i32
      %xor3A_442 = vector.broadcast %xor3A_441 : i32 to vector<16xi32>
      %xor3A_443 = arith.xori %iota3A, %xor3A_442 : vector<16xi32>
      %lt3A_444 = arith.constant 0 : i32
      %lt3A_445 = vector.broadcast %lt3A_444 : i32 to vector<16xi32>
      %lt3A_446 = arith.cmpi slt, %xor3A_443, %lt3A_445 : vector<16xi32>
      %add3A_447 = arith.constant 16 : i32
      %add3A_448 = vector.broadcast %add3A_447 : i32 to vector<16xi32>
      %add3A_449 = arith.addi %xor3A_443, %add3A_448 : vector<16xi32>
      %select_n3A_450 = arith.select %lt3A_446, %add3A_449, %xor3A_443 : vector<16xi1>, vector<16xi32>
      %broadcast_in_dim3A_451 = vector.shape_cast %select_n3A_450 : vector<16xi32> to vector<16x1xi32>
      %gather3A_452 = vector.shape_cast %broadcast_in_dim3A_451 : vector<16x1xi32> to vector<16xi32>
      %gather3A_453 = tpu.dynamic_gather %add3A_440[%gather3A_452] in [0] : vector<16xf32>, vector<16xi32> -> vector<16xf32>
      %add3A_454 = arith.addf %add3A_440, %gather3A_453 : vector<16xf32>
      %mul3A_455 = arith.constant 6.250000e-04 : f32
      %mul3A_456 = vector.broadcast %mul3A_455 : f32 to vector<16xf32>
      %mul3A_457 = arith.mulf %add3A_454, %mul3A_456 : vector<16xf32>
      %get3A_458 = arith.constant 0 : index
      %get3A_459 = tpu.vector_load %arg30[%get3A_458] {strides = array<i32>} : memref<16xf32, #tpu.memory_space<vmem>>, vector<16xf32>,
      %bitcast3A = vector.bitcast %get3A_459 : vector<16xf32> to vector<16xi32>
      %shift_right_arithmetic3A_460 = arith.constant 23 : i32
      %shift_right_arithmetic3A_461 = vector.broadcast %shift_right_arithmetic3A_460 : i32 to vector<16xi32>
      %shift_right_arithmetic3A_462 = arith.shrsi %bitcast3A, %shift_right_arithmetic3A_461 : vector<16xi32>
      %sub3A_463 = arith.constant 127 : i32
      %sub3A_464 = vector.broadcast %sub3A_463 : i32 to vector<16xi32>
      %sub3A_465 = arith.subi %shift_right_arithmetic3A_462, %sub3A_464 : vector<16xi32>
      %and3A_466 = arith.constant 8388607 : i32
      %and3A_467 = vector.broadcast %and3A_466 : i32 to vector<16xi32>
      %and3A_468 = arith.andi %bitcast3A, %and3A_467 : vector<16xi32>
      %or3A = arith.constant 1065353216 : i32
      %or3A_469 = vector.broadcast %or3A : i32 to vector<16xi32>
      %or3A_470 = arith.ori %and3A_468, %or3A_469 : vector<16xi32>
      %bitcast3A_471 = vector.bitcast %or3A_470 : vector<16xi32> to vector<16xf32>
      %sub3A_472 = arith.constant 1.000000e+00 : f32
      %sub3A_473 = vector.broadcast %sub3A_472 : f32 to vector<16xf32>
      %sub3A_474 = arith.subf %bitcast3A_471, %sub3A_473 : vector<16xf32>
      %add3A_475 = arith.constant 1.000000e+00 : f32
      %add3A_476 = vector.broadcast %add3A_475 : f32 to vector<16xf32>
      %add3A_477 = arith.addf %bitcast3A_471, %add3A_476 : vector<16xf32>
      %div3A_478 = arith.divf %sub3A_474, %add3A_477 : vector<16xf32>
      %mul3A_479 = arith.mulf %div3A_478, %div3A_478 : vector<16xf32>
      %mul3A_480 = arith.constant 2.000000e+00 : f32
      %mul3A_481 = vector.broadcast %mul3A_480 : f32 to vector<16xf32>
      %mul3A_482 = arith.mulf %mul3A_481, %div3A_478 : vector<16xf32>
      %mul3A_483 = arith.constant 0.142857149 : f32
      %mul3A_484 = vector.broadcast %mul3A_483 : f32 to vector<16xf32>
      %mul3A_485 = arith.mulf %mul3A_479, %mul3A_484 : vector<16xf32>
      %add3A_486 = arith.constant 2.000000e-01 : f32
      %add3A_487 = vector.broadcast %add3A_486 : f32 to vector<16xf32>
      %add3A_488 = arith.addf %add3A_487, %mul3A_485 : vector<16xf32>
      %mul3A_489 = arith.mulf %mul3A_479, %add3A_488 : vector<16xf32>
      %add3A_490 = arith.constant 0.333333343 : f32
      %add3A_491 = vector.broadcast %add3A_490 : f32 to vector<16xf32>
      %add3A_492 = arith.addf %add3A_491, %mul3A_489 : vector<16xf32>
      %mul3A_493 = arith.mulf %mul3A_479, %add3A_492 : vector<16xf32>
      %add3A_494 = arith.constant 1.000000e+00 : f32
      %add3A_495 = vector.broadcast %add3A_494 : f32 to vector<16xf32>
      %add3A_496 = arith.addf %add3A_495, %mul3A_493 : vector<16xf32>
      %mul3A_497 = arith.mulf %mul3A_482, %add3A_496 : vector<16xf32>
      %convert_element_type3A_498 = arith.sitofp %sub3A_465 : vector<16xi32> to vector<16xf32>
      %mul3A_499 = arith.constant 0.693147182 : f32
      %mul3A_500 = vector.broadcast %mul3A_499 : f32 to vector<16xf32>
      %mul3A_501 = arith.mulf %convert_element_type3A_498, %mul3A_500 : vector<16xf32>
      %add3A_502 = arith.addf %mul3A_501, %mul3A_497 : vector<16xf32>
      %max3A_503 = arith.constant -1.000000e+02 : f32
      %max3A_504 = vector.broadcast %max3A_503 : f32 to vector<16xf32>
      %max3A_505 = arith.maximumf %add3A_502, %max3A_504 : vector<16xf32>
      %neg3A = arith.constant 0.000000e+00 : f32
      %neg3A_506 = vector.broadcast %neg3A : f32 to vector<16xf32>
      %neg3A_507 = arith.subf %neg3A_506, %max3A_505 : vector<16xf32>
      %xor3A_508 = arith.constant 8 : i32
      %xor3A_509 = vector.broadcast %xor3A_508 : i32 to vector<16xi32>
      %xor3A_510 = arith.xori %iota3A, %xor3A_509 : vector<16xi32>
      %lt3A_511 = arith.constant 0 : i32
      %lt3A_512 = vector.broadcast %lt3A_511 : i32 to vector<16xi32>
      %lt3A_513 = arith.cmpi slt, %xor3A_510, %lt3A_512 : vector<16xi32>
      %add3A_514 = arith.constant 16 : i32
      %add3A_515 = vector.broadcast %add3A_514 : i32 to vector<16xi32>
      %add3A_516 = arith.addi %xor3A_510, %add3A_515 : vector<16xi32>
      %select_n3A_517 = arith.select %lt3A_513, %add3A_516, %xor3A_510 : vector<16xi1>, vector<16xi32>
      %broadcast_in_dim3A_518 = vector.shape_cast %select_n3A_517 : vector<16xi32> to vector<16x1xi32>
      %gather3A_519 = vector.shape_cast %broadcast_in_dim3A_518 : vector<16x1xi32> to vector<16xi32>
      %gather3A_520 = tpu.dynamic_gather %neg3A_507[%gather3A_519] in [0] : vector<16xf32>, vector<16xi32> -> vector<16xf32>
      %add3A_521 = arith.addf %neg3A_507, %gather3A_520 : vector<16xf32>
      %xor3A_522 = arith.constant 4 : i32
      %xor3A_523 = vector.broadcast %xor3A_522 : i32 to vector<16xi32>
      %xor3A_524 = arith.xori %iota3A, %xor3A_523 : vector<16xi32>
      %lt3A_525 = arith.constant 0 : i32
      %lt3A_526 = vector.broadcast %lt3A_525 : i32 to vector<16xi32>
      %lt3A_527 = arith.cmpi slt, %xor3A_524, %lt3A_526 : vector<16xi32>
      %add3A_528 = arith.constant 16 : i32
      %add3A_529 = vector.broadcast %add3A_528 : i32 to vector<16xi32>
      %add3A_530 = arith.addi %xor3A_524, %add3A_529 : vector<16xi32>
      %select_n3A_531 = arith.select %lt3A_527, %add3A_530, %xor3A_524 : vector<16xi1>, vector<16xi32>
      %broadcast_in_dim3A_532 = vector.shape_cast %select_n3A_531 : vector<16xi32> to vector<16x1xi32>
      %gather3A_533 = vector.shape_cast %broadcast_in_dim3A_532 : vector<16x1xi32> to vector<16xi32>
      %gather3A_534 = tpu.dynamic_gather %add3A_521[%gather3A_533] in [0] : vector<16xf32>, vector<16xi32> -> vector<16xf32>
      %add3A_535 = arith.addf %add3A_521, %gather3A_534 : vector<16xf32>
      %xor3A_536 = arith.constant 2 : i32
      %xor3A_537 = vector.broadcast %xor3A_536 : i32 to vector<16xi32>
      %xor3A_538 = arith.xori %iota3A, %xor3A_537 : vector<16xi32>
      %lt3A_539 = arith.constant 0 : i32
      %lt3A_540 = vector.broadcast %lt3A_539 : i32 to vector<16xi32>
      %lt3A_541 = arith.cmpi slt, %xor3A_538, %lt3A_540 : vector<16xi32>
      %add3A_542 = arith.constant 16 : i32
      %add3A_543 = vector.broadcast %add3A_542 : i32 to vector<16xi32>
      %add3A_544 = arith.addi %xor3A_538, %add3A_543 : vector<16xi32>
      %select_n3A_545 = arith.select %lt3A_541, %add3A_544, %xor3A_538 : vector<16xi1>, vector<16xi32>
      %broadcast_in_dim3A_546 = vector.shape_cast %select_n3A_545 : vector<16xi32> to vector<16x1xi32>
      %gather3A_547 = vector.shape_cast %broadcast_in_dim3A_546 : vector<16x1xi32> to vector<16xi32>
      %gather3A_548 = tpu.dynamic_gather %add3A_535[%gather3A_547] in [0] : vector<16xf32>, vector<16xi32> -> vector<16xf32>
      %add3A_549 = arith.addf %add3A_535, %gather3A_548 : vector<16xf32>
      %xor3A_550 = arith.constant 1 : i32
      %xor3A_551 = vector.broadcast %xor3A_550 : i32 to vector<16xi32>
      %xor3A_552 = arith.xori %iota3A, %xor3A_551 : vector<16xi32>
      %lt3A_553 = arith.constant 0 : i32
      %lt3A_554 = vector.broadcast %lt3A_553 : i32 to vector<16xi32>
      %lt3A_555 = arith.cmpi slt, %xor3A_552, %lt3A_554 : vector<16xi32>
      %add3A_556 = arith.constant 16 : i32
      %add3A_557 = vector.broadcast %add3A_556 : i32 to vector<16xi32>
      %add3A_558 = arith.addi %xor3A_552, %add3A_557 : vector<16xi32>
      %select_n3A_559 = arith.select %lt3A_555, %add3A_558, %xor3A_552 : vector<16xi1>, vector<16xi32>
      %broadcast_in_dim3A_560 = vector.shape_cast %select_n3A_559 : vector<16xi32> to vector<16x1xi32>
      %gather3A_561 = vector.shape_cast %broadcast_in_dim3A_560 : vector<16x1xi32> to vector<16xi32>
      %gather3A_562 = tpu.dynamic_gather %add3A_549[%gather3A_561] in [0] : vector<16xf32>, vector<16xi32> -> vector<16xf32>
      %add3A_563 = arith.addf %add3A_549, %gather3A_562 : vector<16xf32>
      %mul3A_564 = arith.constant 6.250000e-02 : f32
      %mul3A_565 = vector.broadcast %mul3A_564 : f32 to vector<16xf32>
      %mul3A_566 = arith.mulf %add3A_563, %mul3A_565 : vector<16xf32>
      %add3A_567 = arith.addf %mul3A_275, %mul3A_335 : vector<16xf32>
      %add3A_568 = arith.addf %add3A_567, %mul3A_392 : vector<16xf32>
      %add3A_569 = arith.addf %add3A_568, %mul3A_457 : vector<16xf32>
      %add3A_570 = arith.addf %add3A_569, %mul3A_566 : vector<16xf32>
      %swap3A_571 = arith.constant 0 : index
      %swap3A_572 = tpu.vector_load %arg31[%swap3A_571] {strides = array<i32>} : memref<96xf32, #tpu.memory_space<vmem>>, vector<16xf32>,
      tpu.vector_store %arg31[%swap3A_571], %add3A_570 {strides = array<i32>} : memref<96xf32, #tpu.memory_space<vmem>>, vector<16xf32>,
      %swap3A_573 = arith.constant 16 : index
      %swap3A_574 = tpu.vector_load %arg31[%swap3A_573] {strides = array<i32>} : memref<96xf32, #tpu.memory_space<vmem>>, vector<16xf32>,
      tpu.vector_store %arg31[%swap3A_573], %mul3A_275 {strides = array<i32>} : memref<96xf32, #tpu.memory_space<vmem>>, vector<16xf32>,
      %swap3A_575 = arith.constant 32 : index
      %swap3A_576 = tpu.vector_load %arg31[%swap3A_575] {strides = array<i32>} : memref<96xf32, #tpu.memory_space<vmem>>, vector<16xf32>,
      tpu.vector_store %arg31[%swap3A_575], %mul3A_335 {strides = array<i32>} : memref<96xf32, #tpu.memory_space<vmem>>, vector<16xf32>,
      %swap3A_577 = arith.constant 48 : index
      %swap3A_578 = tpu.vector_load %arg31[%swap3A_577] {strides = array<i32>} : memref<96xf32, #tpu.memory_space<vmem>>, vector<16xf32>,
      tpu.vector_store %arg31[%swap3A_577], %mul3A_392 {strides = array<i32>} : memref<96xf32, #tpu.memory_space<vmem>>, vector<16xf32>,
      %swap3A_579 = arith.constant 64 : index
      %swap3A_580 = tpu.vector_load %arg31[%swap3A_579] {strides = array<i32>} : memref<96xf32, #tpu.memory_space<vmem>>, vector<16xf32>,
      tpu.vector_store %arg31[%swap3A_579], %mul3A_457 {strides = array<i32>} : memref<96xf32, #tpu.memory_space<vmem>>, vector<16xf32>,
      %swap3A_581 = arith.constant 80 : index
      %swap3A_582 = tpu.vector_load %arg31[%swap3A_581] {strides = array<i32>} : memref<96xf32, #tpu.memory_space<vmem>>, vector<16xf32>,
      tpu.vector_store %arg31[%swap3A_581], %mul3A_566 {strides = array<i32>} : memref<96xf32, #tpu.memory_space<vmem>>, vector<16xf32>,
      %dma_start3A_583 = arith.constant 0 : i32
      %dma_start3A_584 = tpu.memref_slice %arg31[%dma_start3A_583] : memref<96xf32, #tpu.memory_space<vmem>> -> memref<1xf32, #tpu.memory_space<vmem>>
      %dma_start3A_585 = arith.constant 0 : i32
      %dma_start3A_586 = tpu.memref_slice %arg31[%dma_start3A_585] : memref<96xf32, #tpu.memory_space<vmem>> -> memref<1xf32, #tpu.memory_space<vmem>>
      tpu.enqueue_dma source(%dma_start3A_586 : memref<1xf32, #tpu.memory_space<vmem>>) target(%arg12 : memref<1xf32, #tpu.memory_space<hbm>>) target_semaphore(%arg32 : memref<!tpu.dma_semaphore, #tpu.memory_space<semaphore_mem>>)
      %dma_start3A_587 = arith.constant 16 : i32
      %dma_start3A_588 = tpu.memref_slice %arg31[%dma_start3A_587] : memref<96xf32, #tpu.memory_space<vmem>> -> memref<1xf32, #tpu.memory_space<vmem>>
      %dma_start3A_589 = arith.constant 16 : i32
      %dma_start3A_590 = tpu.memref_slice %arg31[%dma_start3A_589] : memref<96xf32, #tpu.memory_space<vmem>> -> memref<1xf32, #tpu.memory_space<vmem>>
      tpu.enqueue_dma source(%dma_start3A_590 : memref<1xf32, #tpu.memory_space<vmem>>) target(%arg13 : memref<1xf32, #tpu.memory_space<hbm>>) target_semaphore(%arg32 : memref<!tpu.dma_semaphore, #tpu.memory_space<semaphore_mem>>)
      %dma_start3A_591 = arith.constant 32 : i32
      %dma_start3A_592 = tpu.memref_slice %arg31[%dma_start3A_591] : memref<96xf32, #tpu.memory_space<vmem>> -> memref<1xf32, #tpu.memory_space<vmem>>
      %dma_start3A_593 = arith.constant 32 : i32
      %dma_start3A_594 = tpu.memref_slice %arg31[%dma_start3A_593] : memref<96xf32, #tpu.memory_space<vmem>> -> memref<1xf32, #tpu.memory_space<vmem>>
      tpu.enqueue_dma source(%dma_start3A_594 : memref<1xf32, #tpu.memory_space<vmem>>) target(%arg14 : memref<1xf32, #tpu.memory_space<hbm>>) target_semaphore(%arg32 : memref<!tpu.dma_semaphore, #tpu.memory_space<semaphore_mem>>)
      %dma_start3A_595 = arith.constant 48 : i32
      %dma_start3A_596 = tpu.memref_slice %arg31[%dma_start3A_595] : memref<96xf32, #tpu.memory_space<vmem>> -> memref<1xf32, #tpu.memory_space<vmem>>
      %dma_start3A_597 = arith.constant 48 : i32
      %dma_start3A_598 = tpu.memref_slice %arg31[%dma_start3A_597] : memref<96xf32, #tpu.memory_space<vmem>> -> memref<1xf32, #tpu.memory_space<vmem>>
      tpu.enqueue_dma source(%dma_start3A_598 : memref<1xf32, #tpu.memory_space<vmem>>) target(%arg15 : memref<1xf32, #tpu.memory_space<hbm>>) target_semaphore(%arg32 : memref<!tpu.dma_semaphore, #tpu.memory_space<semaphore_mem>>)
      %dma_start3A_599 = arith.constant 64 : i32
      %dma_start3A_600 = tpu.memref_slice %arg31[%dma_start3A_599] : memref<96xf32, #tpu.memory_space<vmem>> -> memref<1xf32, #tpu.memory_space<vmem>>
      %dma_start3A_601 = arith.constant 64 : i32
      %dma_start3A_602 = tpu.memref_slice %arg31[%dma_start3A_601] : memref<96xf32, #tpu.memory_space<vmem>> -> memref<1xf32, #tpu.memory_space<vmem>>
      tpu.enqueue_dma source(%dma_start3A_602 : memref<1xf32, #tpu.memory_space<vmem>>) target(%arg16 : memref<1xf32, #tpu.memory_space<hbm>>) target_semaphore(%arg32 : memref<!tpu.dma_semaphore, #tpu.memory_space<semaphore_mem>>)
      %dma_start3A_603 = arith.constant 80 : i32
      %dma_start3A_604 = tpu.memref_slice %arg31[%dma_start3A_603] : memref<96xf32, #tpu.memory_space<vmem>> -> memref<1xf32, #tpu.memory_space<vmem>>
      %dma_start3A_605 = arith.constant 80 : i32
      %dma_start3A_606 = tpu.memref_slice %arg31[%dma_start3A_605] : memref<96xf32, #tpu.memory_space<vmem>> -> memref<1xf32, #tpu.memory_space<vmem>>
      tpu.enqueue_dma source(%dma_start3A_606 : memref<1xf32, #tpu.memory_space<vmem>>) target(%arg17 : memref<1xf32, #tpu.memory_space<hbm>>) target_semaphore(%arg32 : memref<!tpu.dma_semaphore, #tpu.memory_space<semaphore_mem>>)
      %dma_wait3A_607 = arith.constant 0 : i32
      %dma_wait3A_608 = tpu.memref_slice %arg31[%dma_wait3A_607] : memref<96xf32, #tpu.memory_space<vmem>> -> memref<1xf32, #tpu.memory_space<vmem>>
      %dma_wait3A_609 = arith.constant 0 : i32
      %dma_wait3A_610 = tpu.memref_slice %arg31[%dma_wait3A_609] : memref<96xf32, #tpu.memory_space<vmem>> -> memref<1xf32, #tpu.memory_space<vmem>>
      tpu.wait_dma2 semaphore(%arg32 : memref<!tpu.dma_semaphore, #tpu.memory_space<semaphore_mem>>) src(%dma_wait3A_610 : memref<1xf32, #tpu.memory_space<vmem>>) dst(%arg12 : memref<1xf32, #tpu.memory_space<hbm>>)
      %dma_wait3A_611 = arith.constant 16 : i32
      %dma_wait3A_612 = tpu.memref_slice %arg31[%dma_wait3A_611] : memref<96xf32, #tpu.memory_space<vmem>> -> memref<1xf32, #tpu.memory_space<vmem>>
      %dma_wait3A_613 = arith.constant 16 : i32
      %dma_wait3A_614 = tpu.memref_slice %arg31[%dma_wait3A_613] : memref<96xf32, #tpu.memory_space<vmem>> -> memref<1xf32, #tpu.memory_space<vmem>>
      tpu.wait_dma2 semaphore(%arg32 : memref<!tpu.dma_semaphore, #tpu.memory_space<semaphore_mem>>) src(%dma_wait3A_614 : memref<1xf32, #tpu.memory_space<vmem>>) dst(%arg13 : memref<1xf32, #tpu.memory_space<hbm>>)
      %dma_wait3A_615 = arith.constant 32 : i32
      %dma_wait3A_616 = tpu.memref_slice %arg31[%dma_wait3A_615] : memref<96xf32, #tpu.memory_space<vmem>> -> memref<1xf32, #tpu.memory_space<vmem>>
      %dma_wait3A_617 = arith.constant 32 : i32
      %dma_wait3A_618 = tpu.memref_slice %arg31[%dma_wait3A_617] : memref<96xf32, #tpu.memory_space<vmem>> -> memref<1xf32, #tpu.memory_space<vmem>>
      tpu.wait_dma2 semaphore(%arg32 : memref<!tpu.dma_semaphore, #tpu.memory_space<semaphore_mem>>) src(%dma_wait3A_618 : memref<1xf32, #tpu.memory_space<vmem>>) dst(%arg14 : memref<1xf32, #tpu.memory_space<hbm>>)
      %dma_wait3A_619 = arith.constant 48 : i32
      %dma_wait3A_620 = tpu.memref_slice %arg31[%dma_wait3A_619] : memref<96xf32, #tpu.memory_space<vmem>> -> memref<1xf32, #tpu.memory_space<vmem>>
      %dma_wait3A_621 = arith.constant 48 : i32
      %dma_wait3A_622 = tpu.memref_slice %arg31[%dma_wait3A_621] : memref<96xf32, #tpu.memory_space<vmem>> -> memref<1xf32, #tpu.memory_space<vmem>>
      tpu.wait_dma2 semaphore(%arg32 : memref<!tpu.dma_semaphore, #tpu.memory_space<semaphore_mem>>) src(%dma_wait3A_622 : memref<1xf32, #tpu.memory_space<vmem>>) dst(%arg15 : memref<1xf32, #tpu.memory_space<hbm>>)
      %dma_wait3A_623 = arith.constant 64 : i32
      %dma_wait3A_624 = tpu.memref_slice %arg31[%dma_wait3A_623] : memref<96xf32, #tpu.memory_space<vmem>> -> memref<1xf32, #tpu.memory_space<vmem>>
      %dma_wait3A_625 = arith.constant 64 : i32
      %dma_wait3A_626 = tpu.memref_slice %arg31[%dma_wait3A_625] : memref<96xf32, #tpu.memory_space<vmem>> -> memref<1xf32, #tpu.memory_space<vmem>>
      tpu.wait_dma2 semaphore(%arg32 : memref<!tpu.dma_semaphore, #tpu.memory_space<semaphore_mem>>) src(%dma_wait3A_626 : memref<1xf32, #tpu.memory_space<vmem>>) dst(%arg16 : memref<1xf32, #tpu.memory_space<hbm>>)
      %dma_wait3A_627 = arith.constant 80 : i32
      %dma_wait3A_628 = tpu.memref_slice %arg31[%dma_wait3A_627] : memref<96xf32, #tpu.memory_space<vmem>> -> memref<1xf32, #tpu.memory_space<vmem>>
      %dma_wait3A_629 = arith.constant 80 : i32
      %dma_wait3A_630 = tpu.memref_slice %arg31[%dma_wait3A_629] : memref<96xf32, #tpu.memory_space<vmem>> -> memref<1xf32, #tpu.memory_space<vmem>>
      tpu.wait_dma2 semaphore(%arg32 : memref<!tpu.dma_semaphore, #tpu.memory_space<semaphore_mem>>) src(%dma_wait3A_630 : memref<1xf32, #tpu.memory_space<vmem>>) dst(%arg17 : memref<1xf32, #tpu.memory_space<hbm>>)
    } else {
    }
    return
  }
}

</mosaic_0001>

<sc_bundles>
// kernel: kernel.3.cloned.1.call-start
scs
__scs_entry_jumppad:
0x0: {  	(pc) =	sbr.rel $0x88, $3  }
0x1: {  	(tag) =	ssettag $0x0;
	lr =	simm.s32 $0x1  }
0x2: {  	[smem:$0x3F97] =	sst lr;
	_ =	strace $0xD0000000  }
0x3: {  	_ = 	snop  }
0x4: {  	_ = 	snop  }
0x5: {  	_ = 	snop  }
0x6: {  	_ = 	snop  }
0x7: {  	_ = 	snop  }
__scs_overlays_trampoline_lowered:
0x8: {  	[smem:$0x3FA6] =	sst s0  }
0x9: {  	[smem:$0x3FA7] =	sst s1  }
0xa: {  	[smem:$0x3FA8] =	sst s2  }
0xb: {  	[smem:$0x3FA9] =	sst s3  }
0xc: {  	[smem:$0x3FAA] =	sst s4  }
0xd: {  	[smem:$0x3FAB] =	sst s5  }
0xe: {  	[smem:$0x3FAC] =	sst s6  }
0xf: {  	[smem:$0x3FAD] =	sst s7  }
0x10: {  	[smem:$0x3FAE] =	sst s8  }
0x11: {  	[smem:$0x3FAF] =	sst s9;
	s0 =	simm.s32 @!p0 $0x0  }
0x12: {  	s1 =	sld [smem:$0x3F95];
	s0 =	simm.s32 @p0 $0x1  }
0x13: {  	[smem:$0x3FB0] =	sst s0;
	s0 =	simm.s32 @!p1 $0x0  }
0x14: {  	s2 =	sld [smem:$0x3F94];
	s0 =	simm.s32 @p1 $0x1  }
0x15: {  	[smem:$0x3FB1] =	sst s0;
	s0 =	simm.s32 @!p2 $0x0  }
0x16: {  	s3 =	sld [smem:$0x3FDB];
	s0 =	simm.s32 @p2 $0x1  }
0x17: {  	s4 =	simm.s32 $0x1BF5;
	[smem:$0x3FB3] =	sst s0  }
0x18: {  	s0 =	sld [smem:$0x3F96];
	_ =	swait.ge [sflag:s4], $0x0  }
0x19: {  	s7 =	sld [smem:$0x3F97]  }
0x1a: {  	s8 =	sadd.s32 $0xFFFFE003, lr  }
0x1b: {  	s9 =	sadd.s32 $0xFFFFFEF7, lr;
	s5 =	simm.s32 $0xFFFFFFFF;
	p2 =	slt.u32 s8, $0xFFFFF086  }
0x1c: {  	p1 =	slt.u32 s9, $0xF7A;
	s5 =	simm.s32 @!p2 $0x0  }
0x1d: {  	s5 =	simm.s32 @p1 $0x1;
	p0 =	seq.s32 s7, s2  }
0x1e: {  	s7 =	smul.u32 @!p0 $0xF7A, s2;
	p2 =	seq.s32 @!p0 s5, $0x0  }
0x1f: {  	s9 =	smul.u32 $0xF7A, s1;
	s8 =	simm.s32 @!p0 $0x1BF5;
	p2 =	por !p2, p0  }
0x20: {  	[sflag:s8] =	ssyncset.s32 @!p0 $0xFFFFF086;
	s6 =	sadd.s32 @!p0 s3, s7;
	s7 =	simm.s32 @!p0 $0x108  }
0x21: {  	s3 =	sadd.s32 s3, s9;
	s6 =	sadd.s32 @!p0 $0x88, s6;
	s7 =	simm.s32 @p2 $0x1082  }
0x22: {  	[simem:s7], [sflag:s8] =	dma.local @!p0 [hbm:s6], $0xF7A  }
0x23: {  	s9 =	sor.u32 $0xD0000000, s2;
	s6 =	simm.s32 $0x108;
	_ =	swait.ge @!p0 [sflag:s8], $0x0  }
0x24: {  	s3 =	sadd.s32 $0x88, s3;
	s6 =	simm.s32 @!p1 $0x1082;
	[sflag:s4] =	ssyncset.s32 $0xFFFFF086  }
0x25: {  	[simem:s6], [sflag:s4] =	dma.local [hbm:s3], $0xF7A  }
0x26: {  	[smem:$0x3F97] =	sst s1;
	(tag) =	ssettag s2;
	_ =	strace s9  }
0x27: {  	s1 =	sld [smem:$0x3FA7]  }
0x28: {  	s2 =	sld [smem:$0x3FA8]  }
0x29: {  	s4 =	sld [smem:$0x3FAA]  }
0x2a: {  	p0 =	seq.s32 s5, $0x0;
	s5 =	sld [smem:$0x3FAB]  }
0x2b: {  	s6 =	sld [smem:$0x3FAC]  }
0x2c: {  	s7 =	sld [smem:$0x3FAD]  }
0x2d: {  	s3 =	simm.s32 $0x108;
	s8 =	sld [smem:$0x3FAE]  }
0x2e: {  	s3 =	simm.s32 @!p0 $0x1082;
	s9 =	sld [smem:$0x3FAF]  }
0x2f: {  	lr =	sadd.s32 s0, s3;
	s0 =	sld [smem:$0x3FA6]  }
0x30: {  	s3 =	sld [smem:$0x3FA9]  }
0x31: {  	[smem:$0x3FB2] =	sst s10  }
0x32: {  	s10 =	sld [smem:$0x3FB0];
	_ =	sdelay $0x3  }
0x33: {  	p0 =	seq.s32 s10, $0x1;
	s10 =	sld [smem:$0x3FB2];
	_ =	sdelay $0x3  }
0x34: {  	[smem:$0x3FB2] =	sst s10  }
0x35: {  	s10 =	sld [smem:$0x3FB1];
	_ =	sdelay $0x3  }
0x36: {  	p1 =	seq.s32 s10, $0x1;
	s10 =	sld [smem:$0x3FB2];
	_ =	sdelay $0x3  }
0x37: {  	[smem:$0x3FB2] =	sst s10  }
0x38: {  	s10 =	sld [smem:$0x3FB3]  }
0x39: {  	_ = 	snop;
	(pc) =	sbr.ind lr, $3  }
0x3a: {  	_ = 	snop  }
0x3b: {  	_ = 	snop  }
0x3c: {  	p2 =	seq.s32 s10, $0x1;
	s10 =	sld [smem:$0x3FB2]  }
0x3d: {  	_ =	shalt  }
0x3e: {  	_ =	shalt  }
0x3f: {  	_ =	shalt  }
0x40: {  	_ =	shalt  }
0x41: {  	_ =	shalt  }
0x42: {  	_ =	shalt  }
0x43: {  	_ =	shalt  }
0x44: {  	_ =	shalt  }
0x45: {  	_ =	shalt  }
0x46: {  	_ =	shalt  }
0x47: {  	_ =	shalt  }
0x48: {  	_ =	shalt  }
0x49: {  	_ =	shalt  }
0x4a: {  	_ =	shalt  }
0x4b: {  	_ =	shalt  }
0x4c: {  	_ =	shalt  }
0x4d: {  	_ =	shalt  }
0x4e: {  	_ =	shalt  }
0x4f: {  	_ =	shalt  }
0x50: {  	_ =	shalt  }
0x51: {  	_ =	shalt  }
0x52: {  	_ =	shalt  }
0x53: {  	_ =	shalt  }
0x54: {  	_ =	shalt  }
0x55: {  	_ =	shalt  }
0x56: {  	_ =	shalt  }
0x57: {  	_ =	shalt  }
0x58: {  	_ =	shalt  }
0x59: {  	_ =	shalt  }
0x5a: {  	_ =	shalt  }
0x5b: {  	_ =	shalt  }
0x5c: {  	_ =	shalt  }
0x5d: {  	_ =	shalt  }
0x5e: {  	_ =	shalt  }
0x5f: {  	_ =	shalt  }
0x60: {  	_ =	shalt  }
0x61: {  	_ =	shalt  }
0x62: {  	_ =	shalt  }
0x63: {  	_ =	shalt  }
0x64: {  	_ =	shalt  }
0x65: {  	_ =	shalt  }
0x66: {  	_ =	shalt  }
0x67: {  	_ =	shalt  }
0x68: {  	_ =	shalt  }
0x69: {  	_ =	shalt  }
0x6a: {  	_ =	shalt  }
0x6b: {  	_ =	shalt  }
0x6c: {  	_ =	shalt  }
0x6d: {  	_ =	shalt  }
0x6e: {  	_ =	shalt  }
0x6f: {  	_ =	shalt  }
0x70: {  	_ =	shalt  }
0x71: {  	_ =	shalt  }
0x72: {  	_ =	shalt  }
0x73: {  	_ =	shalt  }
0x74: {  	_ =	shalt  }
0x75: {  	_ =	shalt  }
0x76: {  	_ =	shalt  }
0x77: {  	_ =	shalt  }
0x78: {  	_ =	shalt  }
0x79: {  	_ =	shalt  }
0x7a: {  	_ =	shalt  }
0x7b: {  	_ =	shalt  }
0x7c: {  	_ =	shalt  }
0x7d: {  	_ =	shalt  }
0x7e: {  	_ =	shalt  }
0x7f: {  	_ =	shalt  }
0x80: {  	_ =	shalt  }
0x81: {  	_ =	shalt  }
0x82: {  	_ =	shalt  }
0x83: {  	_ =	shalt  }
0x84: {  	_ =	shalt  }
0x85: {  	_ =	shalt  }
0x86: {  	_ =	shalt  }
0x87: {  	_ =	shalt  }
.Lfunc_end0:
.L_simem_size_0:
called_computation_lowered:
.L_overlay_start_0:
0x88: {  	s0 =	sld [smem:$0x3FD9]  }
0x89: {  	s1 =	sld [smem:$0x3FFE];
	_ =	sdelay $0x3  }
0x8a: {  	s0 =	sadd.s32 s1, s0  }
0x8b: {  	[smem:$0x3FBE] =	sst s0  }
0x8c: {  	_ = 	snop  }
0x8d: {  	s0 =	sld [smem:$0x3FC9]  }
0x8e: {  	s3 =	sld [smem:$0x3FC8]  }
0x8f: {  	s2 =	sld [smem:$0x3FC7]  }
0x90: {  	s1 =	sld [smem:$0x3FC6]  }
0x91: {  	s8 =	sld [smem:$0x3FC5]  }
0x92: {  	s6 =	sld [smem:$0x3FC4]  }
0x93: {  	s13 =	sld [smem:$0x3FD0]  }
0x94: {  	s7 =	sld [smem:$0x3FC3]  }
0x95: {  	s5 =	sld [smem:$0x3FC1]  }
0x96: {  	s14 =	simm.s32 $0xA;
	s15 =	simm.s32 $0x10;
	s4 =	sld [smem:$0x3FC0]  }
0x97: {  	[smem:s15], [sflag:s14] =	dma.local [hbm:s13], $0x1  }
0x98: {  	_ =	swait.eq [sflag:s14], $0x1  }
0x99: {  	s9 =	sld [smem:$0x10]  }
0x9a: {  	s10 =	sld [smem:$0x13];
	[sflag:s14] =	ssyncset.done $0x0  }
0x9b: {  	s11 =	sld [smem:$0x14];
	[sflag:s14] =	ssyncadd.s32 $0xFFFFFFFF  }
0x9c: {  	s13 =	sadd.s32 $0x1, s13;
	s12 =	sld [smem:$0x15]  }
0x9d: {  	[smem:s15], [sflag:s14] =	dma.local [hbm:s13], $0x1  }
0x9e: {  	_ =	swait.eq [sflag:s14], $0x1  }
0x9f: {  	[sflag:s14] =	ssyncset.done $0x0  }
0xa0: {  	s15 =	sld [smem:$0x10];
	[sflag:s14] =	ssyncadd.s32 $0xFFFFFFFF  }
0xa1: {  	s14 =	sld [smem:$0x11];
	(tm) =	ssettm $0x1  }
0xa2: {  	s23 =	sld [smem:$0x3FFB];
	_ =	sdelay $0x3  }
0xa3: {  	_ =	strace s23  }
0xa4: {  	s13 =	sld [smem:$0x3FFC];
	_ =	sdelay $0x3  }
0xa5: {  	_ =	strace s13  }
0xa6: {  	s13 =	sld [smem:$0x3FFD];
	_ =	sdelay $0x3  }
0xa7: {  	_ =	strace s13  }
0xa8: {  	_ =	strace $0x8FFFFFFF  }
0xa9: {  	s24 =	sld [smem:$0x3FDB];
	_ =	sdelay $0x1  }
0xaa: {  	s16 =	simm.s32 $_scs_section_size  }
0xab: {  	s17 =	simm.s32 $_size__tile_task_arg_handler_lowered;
	s18 =	simm.s32 $_tile_task_arg_handler_lowered  }
0xac: {  	s28 =	simm.s32 $0x1BFF;
	s26 =	sshll.u32 s18, $0x1;
	s16 =	sadd.s32 s16, s24  }
0xad: {  	s19 =	simm.s32 $0x60;
	s25 =	sshll.u32 s17, $0x1;
	s17 =	sadd.s32 s26, s16  }
0xae: {  	[timem:s19], [sflag:s28] =	dma.local [hbm:s17], s25  }
0xaf: {  	_ =	swait.ge [sflag:s28], s25  }
0xb0: {  	s29 =	simm.s32 $_tile_overlayer_lowered;
	s13 =	ssub.s32 $0x0, s25;
	[sflag:s28] =	ssyncset.done $0x0  }
0xb1: {  	s30 =	simm.s32 $_size__tile_overlayer_lowered;
	s17 =	sshll.u32 s29, $0x1;
	[sflag:s28] =	ssyncadd.s32 s13  }
0xb2: {  	s31 =	sshll.u32 s30, $0x1;
	s17 =	sadd.s32 s17, s16;
	s13 =	simm.s32 $0x0  }
0xb3: {  	[timem:s13], [sflag:s28] =	dma.local [hbm:s17], s31  }
0xb4: {  	_ =	swait.ge [sflag:s28], s31  }
0xb5: {  	s20 =	ssub.s32 $0x0, s31;
	[sflag:s28] =	ssyncset.done $0x0  }
0xb6: {  	[sflag:s28] =	ssyncadd.s32 s20;
	_ =	sdelay $0x1  }
0xb7: {  	s21 =	simm.s32 $0x1B8B  }
0xb8: {  	_ =	swait.ge [sflag:s21], $0x1  }
0xb9: {  	[sflag:s21] =	ssyncset.done $0x0  }
0xba: {  	s23 =	simm.s32 $0x1B8E;
	s22 =	sld [smem:$0x3FFE];
	[sflag:s21] =	ssyncadd.s32 $0xFFFFFFFF  }
0xbb: {  	s24 =	simm.s32 $execute0_lowered;
	[smem:$0x3FD2] =	sst s23  }
0xbc: {  	s18 =	sshll.u32 s24, $0x1;
	_ =	strace $0x80000046;
	[dreg:$0x1] =	wrdreg $0xFFFFFFFF  }
0xbd: {  	s16 =	sadd.s32 s16, s18;
	s25 =	simm.s32 $_size_execute0_lowered;
	[dreg:$0x0] =	wrdreg $0x0  }
0xbe: {  	s18 =	sshll.u32 s25, $0x1;
	[dreg:$0x2] =	wrdreg s16  }
0xbf: {  	[dreg:$0x3] =	wrdreg s18  }
0xc0: {  	[dreg:$0x4] =	wrdreg $0xC0  }
0xc1: {  	_ =	task [dreg:s13], $0x5FFFF  }
0xc2: {  	[dreg:$0x1] =	wrdreg $0xFFFFFFFF  }
0xc3: {  	[dreg:$0x0] =	wrdreg $0x30  }
0xc4: {  	[dreg:$0x2] =	wrdreg $0x0  }
0xc5: {  	[dreg:$0x3] =	wrdreg s15  }
0xc6: {  	[dreg:$0x4] =	wrdreg s14  }
0xc7: {  	[dreg:$0x5] =	wrdreg $0x7000  }
0xc8: {  	[dreg:$0x6] =	wrdreg $0x9  }
0xc9: {  	_ =	task [dreg:s13], $0x7FFFF  }
0xca: {  	[dreg:$0x1] =	wrdreg $0xFFFFFFFF  }
0xcb: {  	[dreg:$0x0] =	wrdreg $0x60  }
0xcc: {  	[dreg:$0x2] =	wrdreg s8  }
0xcd: {  	[dreg:$0x3] =	wrdreg s3  }
0xce: {  	[dreg:$0x4] =	wrdreg s6  }
0xcf: {  	[dreg:$0x5] =	wrdreg s2  }
0xd0: {  	[dreg:$0x6] =	wrdreg s7  }
0xd1: {  	[dreg:$0x7] =	wrdreg s1  }
0xd2: {  	[dreg:$0x8] =	wrdreg s22  }
0xd3: {  	[dreg:$0x9] =	wrdreg s5  }
0xd4: {  	[dreg:$0xa] =	wrdreg s0  }
0xd5: {  	[dreg:$0xb] =	wrdreg s4  }
0xd6: {  	[dreg:$0xc] =	wrdreg s9  }
0xd7: {  	[dreg:$0xd] =	wrdreg s10  }
0xd8: {  	[dreg:$0xe] =	wrdreg s11  }
0xd9: {  	[dreg:$0xf] =	wrdreg s12  }
0xda: {  	_ =	task.clear_ibuf [dreg:s13], $0x10FFFF;
	_ =	strace $0x90000046  }
0xdb: {  	s26 =	simm.s32 $0x9;
	_ =	strace $0x80000048  }
0xdc: {  	_ =	swait.ge [sflag:s26], $0x1  }
0xdd: {  	[sflag:s26] =	ssyncadd.s32 $0xFFFFFFFF  }
0xde: {  	_ =	strace $0x90000048  }
0xdf: {  	_ =	sfence  }
0xe0: {  	s28 =	sld [smem:$0x0];
	_ =	sdelay $0x1  }
0xe1: {  	s29 =	srdreg.scid  }
0xe2: {  	s30 =	sshll.u32 s29, $0xD;
	s31 =	sshrl.u32 s29, $0x2  }
0xe3: {  	s2 =	sand.u32 $0x4000, s30;
	s1 =	sand.u32 $0x1, s29;
	s0 =	sadd.s32 s31, s28  }
0xe4: {  	s1 =	sor.u32 s2, s1;
	s0 =	sshll.u32 s0, $0x11  }
0xe5: {  	s0 =	sor.u32 s0, s1  }
0xe6: {  	s0 =	sadd.s32 $0x8F2B, s0  }
0xe7: {  	[sflag:s0] =	ssyncadd.remote.s32 $0x1  }
0xe8: {  	_ =	sfence.sel $0xFFFF  }
0xe9: {  	[dreg:$0x0] =	wrdreg $0xFFFFFFFF;
	(pc) =	sbr.abs _section_cstart, $3  }
0xea: {  	[dreg:$0x1] =	wrdreg $0xFFFFFFFF  }
0xeb: {  	_ =	task.clear_ibuf [dreg:s13], $0x2FFFF;
	_ =	strace $0x9FFFFFFF  }
0xec: {  	(tm) =	ssettm $0x7FFFFFFF  }
0xed: {  	_ =	shalt  }
tec
_tile_task_arg_handler_lowered:
.L_overlay_start_1:
0x0: {  	(tag) =	ssettag $0x1  }
0x1: {  	s0 =	rddreg [dreg:$0x0]  }
0x2: {  	s1 =	rddreg [dreg:$0x1]  }
0x3: {  	s2 =	rddreg [dreg:$0x2]  }
0x4: {  	s3 =	rddreg [dreg:$0x3]  }
0x5: {  	s4 =	rddreg [dreg:$0x4]  }
0x6: {  	s5 =	rddreg [dreg:$0x5]  }
0x7: {  	s6 =	rddreg [dreg:$0x6]  }
0x8: {  	s7 =	rddreg [dreg:$0x7]  }
0x9: {  	s8 =	rddreg [dreg:$0x8]  }
0xa: {  	s9 =	rddreg [dreg:$0x9]  }
0xb: {  	s10 =	rddreg [dreg:$0xa]  }
0xc: {  	s11 =	rddreg [dreg:$0xb]  }
0xd: {  	s12 =	rddreg [dreg:$0xc]  }
0xe: {  	s13 =	rddreg [dreg:$0xd]  }
0xf: {  	[smem:s0] =	sst s1  }
0x10: {  	[smem:s0+$0x1] =	sst s2  }
0x11: {  	[smem:s0+$0x2] =	sst s3  }
0x12: {  	[smem:s0+$0x3] =	sst s4  }
0x13: {  	[smem:s0+$0x4] =	sst s5  }
0x14: {  	[smem:s0+$0x5] =	sst s6  }
0x15: {  	[smem:s0+$0x6] =	sst s7  }
0x16: {  	[smem:s0+$0x7] =	sst s8  }
0x17: {  	[smem:s0+$0x8] =	sst s9  }
0x18: {  	[smem:s0+$0x9] =	sst s10  }
0x19: {  	[smem:s0+$0xA] =	sst s11  }
0x1a: {  	[smem:s0+$0xB] =	sst s12  }
0x1b: {  	[smem:s0+$0xC] =	sst s13;
	_ =	shalt  }
.Lfunc_end2:
execute0_lowered:
.L_overlay_start_2:
0x1c: {  	(tag) =	ssettag $0x2  }
0x1d: {  	s10 =	rddreg [dreg:$0x0]  }
0x1e: {  	s11 =	rddreg [dreg:$0x1]  }
0x1f: {  	s12 =	rddreg [dreg:$0x2]  }
0x20: {  	s13 =	rddreg [dreg:$0x3]  }
0x21: {  	s14 =	rddreg [dreg:$0x4]  }
0x22: {  	s15 =	rddreg [dreg:$0x5]  }
0x23: {  	s16 =	rddreg [dreg:$0x6]  }
0x24: {  	s17 =	rddreg [dreg:$0x7]  }
0x25: {  	s18 =	rddreg [dreg:$0x8]  }
0x26: {  	s19 =	rddreg [dreg:$0x9]  }
0x27: {  	s6 =	rddreg [dreg:$0xa]  }
0x28: {  	s5 =	rddreg [dreg:$0xb]  }
0x29: {  	s2 =	rddreg [dreg:$0xc]  }
0x2a: {  	s1 =	rddreg [dreg:$0xd];
	s9 =	simm.s32 $0x0  }
0x2b: {  	s8 =	stileid.u32;
	[smem:$0x7FF] =	sst s9  }
0x2c: {  	s20 =	sshrl.u32 s8, $0x3;
	s0 =	sshll.u32 s8, $0x7;
	s3 =	sld [smem:$0x0]  }
0x2d: {  	s4 =	sld [smem:$0x1];
	s21 =	sand.u32 $0x380, s0;
	s22 =	sshll.u32 s20, $0xB  }
0x2e: {  	s7 =	sld [smem:$0x2];
	s22 =	sor.u32 s21, s22  }
0x2f: {  	s24 =	simm.s32 $0x80;
	s0 =	sld [smem:$0x3];
	s22 =	sshrl.u32 s22, $0x3  }
0x30: {  	_ =	strace $0x80000047;
	s23 =	sadd.s32 s10, s22;
	s10 =	simm.s32 $0x400  }
0x31: {  	[tilespmem:s9], [sflag:$0x1] =	stream.strided.gather [hbm4b:s23+s24], $0x100, s10, s24, $0x38;
	[tilespmem:$0xD40] =	vst v63  }
0x32: {  	s11 =	sadd.s32 s11, s22;
	s23 =	simm.s32 $0x100  }
0x33: {  	[tilespmem:s23], [sflag:$0x1] =	stream.strided.gather [hbm4b:s11+s24], $0x100, s10, s24, $0x38;
	[tilespmem:$0xD40] =	vst v63  }
0x34: {  	s29 =	simm.s32 $0x200;
	s30 =	sshll.u32 s20, $0xA;
	s28 =	sadd.s32 s12, s22  }
0x35: {  	[tilespmem:s29], [sflag:$0x1] =	stream.strided.gather [hbm4b:s28+s24], $0x100, s10, s24, $0x38;
	[tilespmem:$0xD40] =	vst v63  }
0x36: {  	s20 =	sor.u32 s21, s30;
	s13 =	sadd.s32 s13, s22;
	s11 =	simm.s32 $0x300  }
0x37: {  	[tilespmem:s11], [sflag:$0x1] =	stream.strided.gather [hbm4b:s13+s24], $0x100, s10, s24, $0x38;
	[tilespmem:$0xD40] =	vst v63  }
0x38: {  	s31 =	sshrl.u32 s20, $0x3;
	s14 =	sadd.s32 s14, s22  }
0x39: {  	[tilespmem:s10], [sflag:$0x1] =	stream.strided.gather [hbm4b:s14+s24], $0x100, s10, s24, $0x38;
	[tilespmem:$0xD40] =	vst v63  }
0x3a: {  	s20 =	simm.s32 $0x500;
	s13 =	sadd.s32 s31, s16;
	s16 =	sadd.s32 s15, s22  }
0x3b: {  	[tilespmem:s20], [sflag:$0x1] =	stream.strided.gather [hbm4b:s16+s24], $0x100, s10, s24, $0x38;
	[tilespmem:$0xD40] =	vst v63  }
0x3c: {  	s21 =	simm.s32 $0x600;
	s13 =	sadd.s32 $0x400, s13  }
0x3d: {  	[tilespmem:s21], [sflag:$0x1] =	stream.linear.gather [hbm4b:s13+s9], $0x80, $0x38;
	[tilespmem:$0xD40] =	vst v63  }
0x3e: {  	s22 =	simm.s32 $0xB40  }
0x3f: {  	[tilespmem:s22], [sflag:$0x1] =	stream.linear.gather [hbm4b:s17+s9], $0x80, $0x38;
	[tilespmem:$0xD40] =	vst v63  }
0x40: {  	s24 =	simm.s32 $0xBC0  }
0x41: {  	[tilespmem:s24], [sflag:$0x1] =	stream.linear.gather [hbm4b:s18+s9], $0x80, $0x38;
	[tilespmem:$0xD40] =	vst v63  }
0x42: {  	s25 =	simm.s32 $0xC40;
	s26 =	simm.s32 $0x1  }
0x43: {  	[tilespmem:s25], [sflag:$0x1] =	stream.linear.gather [hbm4b:s19+s9], $0x80, $0x38;
	[tilespmem:$0xD40] =	vst v63  }
0x44: {  	_ =	swait.ge [sflag:s26], $0x100  }
0x45: {  	[sflag:s26] =	ssyncset.done $0x0  }
0x46: {  	[sflag:s26] =	ssyncadd.s32 $0xFFFFFF00  }
0x47: {  	_ =	swait.ge [sflag:s26], $0x100  }
0x48: {  	[sflag:s26] =	ssyncset.done $0x0  }
0x49: {  	[sflag:s26] =	ssyncadd.s32 $0xFFFFFF00  }
0x4a: {  	_ =	swait.ge [sflag:s26], $0x100  }
0x4b: {  	[sflag:s26] =	ssyncset.done $0x0  }
0x4c: {  	[sflag:s26] =	ssyncadd.s32 $0xFFFFFF00  }
0x4d: {  	_ =	swait.ge [sflag:s26], $0x100  }
0x4e: {  	[sflag:s26] =	ssyncset.done $0x0  }
0x4f: {  	[sflag:s26] =	ssyncadd.s32 $0xFFFFFF00  }
0x50: {  	_ =	swait.ge [sflag:s26], $0x100  }
0x51: {  	[sflag:s26] =	ssyncset.done $0x0  }
0x52: {  	[sflag:s26] =	ssyncadd.s32 $0xFFFFFF00  }
0x53: {  	_ =	swait.ge [sflag:s26], $0x100  }
0x54: {  	[sflag:s26] =	ssyncset.done $0x0  }
0x55: {  	[sflag:s26] =	ssyncadd.s32 $0xFFFFFF00  }
0x56: {  	_ =	swait.ge [sflag:s26], $0x80  }
0x57: {  	[sflag:s26] =	ssyncset.done $0x0  }
0x58: {  	[sflag:s26] =	ssyncadd.s32 $0xFFFFFF80  }
0x59: {  	_ =	swait.ge [sflag:s26], $0x80  }
0x5a: {  	[sflag:s26] =	ssyncset.done $0x0  }
0x5b: {  	[sflag:s26] =	ssyncadd.s32 $0xFFFFFF80  }
0x5c: {  	_ =	swait.ge [sflag:s26], $0x80  }
0x5d: {  	[sflag:s26] =	ssyncset.done $0x0  }
0x5e: {  	[sflag:s26] =	ssyncadd.s32 $0xFFFFFF80  }
0x5f: {  	_ =	swait.ge [sflag:s26], $0x80  }
0x60: {  	[sflag:s26] =	ssyncset.done $0x0  }
0x61: {  	s28 =	sand.u32 $0xC0, s9;
	[sflag:s26] =	ssyncadd.s32 $0xFFFFFF80  }
0x62: {  	s13 =	sshrl.u32 s28, $0x2;
	v2 =	vld [tilespmem:s9+$0x0]  }
0x63: {  	v3 =	vld [tilespmem:s13+$0x600]  }
0x64: {  	v4 =	vld [tilespmem:s23+$0x0]  }
0x65: {  	v6 =	vld [tilespmem:s29+$0x0]  }
0x66: {  	v7 =	vld [tilespmem:s10+$0x0]  }
0x67: {  	v0 =	vlaneseq.u32;
	v8 =	vld [tilespmem:s20+$0x0]  }
0x68: {  	v1 =	vshrl.u32 v0, $0x2;
	s9 =	sand.u32 $0xC, s9;
	v9 =	vld [tilespmem:s11+$0x0]  }
0x69: {  	v0 =	vand.u32 $0x3, v0;
	s29 =	simm.s32 $0x10;
	v5 =	vor.u32 s9, v1  }
0x6a: {  	v0 =	vmul.u32 $0x8, v0;
	s30 =	sand.u32 $0xC0, s29;
	v3 =	vperm.xlane v3, v5  }
0x6b: {  	v10 =	vld [tilespmem:s29+$0x0];
	s9 =	sshrl.u32 s30, $0x2  }
0x6c: {  	s10 =	simm.s32 $0x110;
	v11 =	vld [tilespmem:s9+$0x600];
	v4 =	vsub.f32 v2, v4;
	v3 =	vshrl.u32 v3, v0  }
0x6d: {  	s31 =	simm.s32 $0x4;
	s11 =	simm.s32 $0x210;
	v5 =	vld [tilespmem:s10+$0x0];
	v7 =	vsub.f32 v7, v8;
	v15 =	vsub.f32 v6, v9;
	v12 =	vand.u32 $0x1, v3  }
0x6e: {  	s12 =	simm.s32 $0x410;
	s9 =	sand.u32 $0xC, s31;
	v2 =	vld [tilespmem:s11+$0x0];
	v13 =	vmul.f32 v4, v4;
	v8 =	vcvt.s32.f32 v12  }
0x6f: {  	s13 =	simm.s32 $0x510;
	v6 =	vld [tilespmem:s12+$0x0];
	v4 =	vor.u32 s9, v1;
	v14 =	vmul.f32 v7, v7;
	v15 =	vmul.f32 v15, v15  }
0x70: {  	s15 =	simm.s32 $0x20;
	s14 =	simm.s32 $0x8;
	v9 =	vld [tilespmem:s13+$0x0];
	s9 =	simm.s32 $0x310;
	v7 =	vimm.f32 $0.0e+00;
	v3 =	vimm.f32 $0.0e+00;
	v12 =	vsub.f32 $1.000000000e+00, v8  }
0x71: {  	s16 =	simm.s32 $0xC;
	s17 =	simm.s32 $0x20;
	s18 =	sand.u32 $0xC0, s15;
	v16 =	vperm.xlane v11, v4;
	v11 =	vld [tilespmem:s9+$0x0];
	v4 =	vimm.f32 $0.0e+00;
	v8 =	vimm.f32 $0.0e+00  }
.LBB3_1:
0x72: {  	p0 =	sne.s32 s16, $0x2C;
	s18 =	sshrl.u32 s18, $0x2;
	v17 =	vld [tilespmem:s15+$0x0];
	v13 =	vmul.f32 v12, v13;
	v14 =	vmul.f32 v14, v12;
	v3 =	vadd.f32 v12, v3  }
0x73: {  	v10 =	vsub.f32 v10, v5;
	s10 =	sadd.s32 $0x10, s10;
	v18 =	vld [tilespmem:s18+$0x600];
	v16 =	vshrl.u32 v16, v0;
	v12 =	vmul.f32 v15, v12;
	v15 =	vmovc v2  }
.Ltmp0:
0x74: {  	s11 =	sadd.s32 $0x10, s11;
	v5 =	vld [tilespmem:s10+$0x0];
	v16 =	vand.u32 $0x1, v16;
	v8 =	vadd.f32 v13, v8;
	v7 =	vadd.f32 v14, v7;
	(pc) =	sbr.rel @p0 .LBB3_1-.Ltmp0, $4  }
0x75: {  	s12 =	sadd.s32 $0x10, s12;
	v2 =	vld [tilespmem:s11+$0x0];
	v14 =	vcvt.s32.f32 v16;
	v16 =	vsub.f32 v6, v9;
	v4 =	vadd.f32 v12, v4  }
0x76: {  	s13 =	sadd.s32 $0x10, s13;
	s18 =	sand.u32 $0xC, s14;
	s14 =	smov.u32 s16;
	v13 =	vmul.f32 v10, v10;
	v6 =	vld [tilespmem:s12+$0x0];
	v15 =	vsub.f32 v15, v11  }
0x77: {  	s17 =	sadd.s32 $0x10, s17;
	s9 =	sadd.s32 $0x10, s9;
	v11 =	vor.u32 s18, v1;
	v9 =	vld [tilespmem:s13+$0x0];
	v12 =	vsub.f32 $1.000000000e+00, v14;
	v14 =	vmul.f32 v16, v16;
	v10 =	vmovc v17  }
0x78: {  	s15 =	sadd.s32 $0x10, s15;
	s16 =	sadd.s32 $0x4, s16;
	s18 =	sand.u32 $0xC0, s17;
	v16 =	vperm.xlane v18, v11;
	v11 =	vld [tilespmem:s9+$0x0];
	v15 =	vmul.f32 v15, v15  }
0x79: {  	v17 =	vld [tilespmem:s15+$0x0]  }
0x7a: {  	v39 =	vld [tilespmem:$0x622]  }
0x7b: {  	v42 =	vld [tilespmem:$0xB8]  }
0x7c: {  	v46 =	vld [tilespmem:$0x1B8]  }
0x7d: {  	v49 =	vld [tilespmem:$0x2B8]  }
0x7e: {  	s16 =	sshrl.u32 s18, $0x2;
	v50 =	vld [tilespmem:$0x3B8]  }
0x7f: {  	v13 =	vmul.f32 v12, v13;
	s10 =	sadd.s32 $0x10, s10;
	v14 =	vmul.f32 v14, v12;
	v5 =	vsub.f32 v10, v5;
	v18 =	vld [tilespmem:s16+$0x600]  }
0x80: {  	s25 =	sadd.s32 $0x10, s11;
	v3 =	vadd.f32 v12, v3;
	v41 =	vlaneseq.u32;
	v48 =	vimm.s32 $0x18100800;
	v32 =	vld [tilespmem:s10+$0x0]  }
0x81: {  	s26 =	sadd.s32 $0x10, s12;
	s29 =	sand.u32 $0xC, s14;
	vm0 =	vmmov $0xff;
	v16 =	vshrl.u32 v16, v0;
	v33 =	vmul.f32 v15, v12;
	v35 =	vld [tilespmem:s25+$0x0]  }
0x82: {  	s28 =	sadd.s32 $0x10, s13;
	v37 =	vld [tilespmem:s26+$0x0];
	v1 =	vor.u32 s29, v1;
	v45 =	vshrl.u32 v41, $0x2;
	v34 =	vand.u32 $0x1, v16  }
0x83: {  	s9 =	sadd.s32 $0x10, s9;
	v38 =	vld [tilespmem:s28+$0x0];
	v10 =	vunpack.c.0.s8.s32 v48;
	v8 =	vadd.f32 v13, v8;
	v36 =	vcvt.s32.f32 v34  }
0x84: {  	v40 =	vld [tilespmem:s9+$0x0];
	v7 =	vadd.f32 v14, v7;
	v5 =	vmul.f32 v5, v5;
	v6 =	vsub.f32 v6, v9  }
0x85: {  	v47 =	vor.u32 $0xC, v45;
	v4 =	vadd.f32 v33, v4;
	v13 =	vsub.f32 $1.000000000e+00, v36  }
0x86: {  	v2 =	vsub.f32 v2, v11;
	v6 =	vmul.f32 v6, v6;
	v56 =	vsub.f32 v42, v46  }
0x87: {  	v57 =	vsub.f32 v49, v50;
	v1 =	vperm.xlane v18, v1;
	v5 =	vmul.f32 v13, v5  }
0x88: {  	v2 =	vmul.f32 v2, v2;
	v44 =	vsub.f32 v17, v32;
	v9 =	vsub.f32 v37, v38  }
0x89: {  	v51 =	vld [tilespmem:$0x4B8];
	v52 =	vsub.f32 v35, v40;
	v5 =	vadd.f32 v5, v8;
	v8 =	vperm.xlane v39, v47  }
0x8a: {  	v53 =	vld [tilespmem:$0x5B8];
	v6 =	vmul.f32 v6, v13;
	v58 =	vmul.f32 v56, v56;
	v43 =	vshrl.u32 v1, v0  }
0x8b: {  	v59 =	vmul.f32 v57, v57;
	v0 =	vand.u32 $0x1, v43;
	v8 =	vshrl.u32 v8, v10  }
0x8c: {  	v2 =	vmul.f32 v2, v13;
	v0 =	vcvt.s32.f32 v0;
	v8 =	vand.u32 $0x1, v8  }
0x8d: {  	v3 =	vadd.f32 v13, v3;
	v1 =	vmul.f32 v44, v44;
	v8 =	vcvt.s32.f32 v8  }
0x8e: {  	v54 =	vmul.f32 v9, v9;
	v6 =	vadd.f32 v6, v7;
	v0 =	vsub.f32 $1.000000000e+00, v0  }
0x8f: {  	v55 =	vmul.f32 v52, v52;
	v7 =	vsub.f32 v51, v53;
	v8 =	vsub.f32 $1.000000000e+00, v8  }
0x90: {  	v2 =	vadd.f32 v2, v4;
	v1 =	vmul.f32 v0, v1;
	v4 =	vmul.f32 v54, v0  }
0x91: {  	v9 =	vmul.f32 v55, v0;
	v0 =	vadd.f32 v0, v3;
	v8 =	vsel vm0, $0x0, v8  }
0x92: {  	v7 =	vmul.f32 v7, v7;
	v1 =	vadd.f32 v1, v5;
	v60 =	vmul.f32 v8, v58  }
0x93: {  	v2 =	vadd.f32 v9, v2;
	v61 =	vmul.f32 v59, v8;
	v0 =	vadd.f32 v8, v0  }
0x94: {  	v4 =	vadd.f32 v4, v6;
	v62 =	vmul.f32 v7, v8;
	v1 =	vadd.f32 v60, v1  }
0x95: {  	v2 =	vadd.f32 v61, v2;
	[tilespmem:$0x6B0] =	vst v0  }
0x96: {  	v63 =	vadd.f32 v62, v4;
	[tilespmem:$0x680] =	vst v1  }
0x97: {  	s30 =	sshll.u32 s8, $0x6;
	[tilespmem:$0x690] =	vst v2  }
0x98: {  	s31 =	simm.s32 $0x680;
	s9 =	sadd.s32 s30, s7;
	[tilespmem:$0x6A0] =	vst v63  }
0x99: {  	[spmem:s9] =	stream.linear.scatter [tilespmem:s31], [sflag:$0x2], $0x40, $0x38;
	[tilespmem:$0xD40] =	vst v63  }
0x9a: {  	s9 =	simm.s32 $0x2  }
0x9b: {  	_ =	swait.ge [sflag:s9], $0x40  }
0x9c: {  	[sflag:s9] =	ssyncset.done $0x0  }
0x9d: {  	[sflag:s9] =	ssyncadd.s32 $0xFFFFFFC0  }
0x9e: {  	p0 =	sne.s32 s8, $0x0;
	[bflag:$0x0] =	sbarrier.arrive $0xFFFF  }
0x9f: {  	_ =	sfence.sel @p0 $0x180000  }
0xa0: {  	[bflag:$0x0] =	sbarrier.arrive @p0 $0xFFFF  }
0xa1: {  	_ =	strace @p0 $0x90000047  }
0xa2: {  	[bflag:$0x2] =	sbarrier.arrive @p0 $0xFFFF  }
0xa3: {  	_ =	shalt @p0  }
.LBB3_3:
0xa4: {  	s8 =	simm.s32 $0x740  }
0xa5: {  	[tilespmem:s8], [sflag:$0x2] =	stream.linear.gather [spmem:s7], $0x400, $0x38;
	[tilespmem:$0xD40] =	vst v63  }
0xa6: {  	_ =	swait.ge [sflag:s9], $0x400  }
0xa7: {  	[sflag:s9] =	ssyncset.done $0x0  }
0xa8: {  	s31 =	simm.s32 $0x0;
	[sflag:s9] =	ssyncadd.s32 $0xFFFFFC00  }
0xa9: {  	v7 =	vld [tilespmem:s31+$0x770]  }
0xaa: {  	v3 =	vld [tilespmem:s31+$0x740]  }
0xab: {  	v6 =	vimm.f32 $0.0e+00;
	v2 =	vld [tilespmem:s31+$0x750]  }
0xac: {  	v5 =	vimm.f32 $0.0e+00;
	v4 =	vimm.f32 $0.0e+00;
	v1 =	vimm.f32 $0.0e+00;
	s7 =	simm.s32 $0x100;
	v0 =	vld [tilespmem:s31+$0x760]  }
.LBB3_4:
0xad: {  	p0 =	sne.s32 s7, $0xF00  }
.Ltmp1:
0xae: {  	s8 =	sshra.s32 s7, $0x2;
	s7 =	sadd.s32 $0x100, s7;
	v6 =	vadd.f32 v7, v6;
	(pc) =	sbr.rel @p0 .LBB3_4-.Ltmp1, $4  }
0xaf: {  	v7 =	vld [tilespmem:s8+$0x770];
	v5 =	vadd.f32 v3, v5  }
0xb0: {  	v3 =	vld [tilespmem:s8+$0x740];
	v4 =	vadd.f32 v2, v4  }
0xb1: {  	v2 =	vld [tilespmem:s8+$0x750];
	v1 =	vadd.f32 v0, v1  }
0xb2: {  	v0 =	vld [tilespmem:s8+$0x760]  }
0xb3: {  	v8 =	vimm.s32 $0xFEDCBA98  }
0xb4: {  	v9 =	vimm.s32 $0x76543210;
	v8 =	vunpack.c.l.s4.s8 v8  }
0xb5: {  	v9 =	vunpack.c.l.s4.s8 v9  }
0xb6: {  	v8 =	vunpack.c.0.s8.s32 v8  }
0xb7: {  	v10 =	vimm.s32 $0xBA98FEDC;
	v11 =	vimm.s32 $0x32107654;
	v9 =	vunpack.c.0.s8.s32 v9  }
0xb8: {  	v10 =	vunpack.c.l.s4.s8 v10;
	v11 =	vunpack.c.l.s4.s8 v11;
	v8 =	vand.u32 $0xF, v8  }
0xb9: {  	v6 =	vadd.f32 v7, v6;
	v25 =	vcombine.low v8, v9  }
0xba: {  	v26 =	vunpack.c.0.s8.s32 v10;
	v27 =	vunpack.c.0.s8.s32 v11  }
0xbb: {  	v29 =	vimm.s32 $0xDCFE98BA;
	v12 =	vimm.s32 $0x54761032;
	v28 =	vperm.xlane v6, v25  }
0xbc: {  	v30 =	vunpack.c.l.s4.s8 v29;
	v31 =	vunpack.c.l.s4.s8 v12;
	v8 =	vcombine.low v27, v26  }
0xbd: {  	v6 =	vadd.f32 v28, v6  }
0xbe: {  	v32 =	vunpack.c.0.s8.s32 v31;
	v9 =	vunpack.c.0.s8.s32 v30;
	v8 =	vand.u32 $0xF, v8  }
0xbf: {  	v34 =	vimm.s32 $0xEFCDAB89;
	v13 =	vimm.s32 $0x67452301;
	v33 =	vperm.xlane v6, v8  }
0xc0: {  	v35 =	vunpack.c.l.s4.s8 v34;
	v36 =	vunpack.c.l.s4.s8 v13;
	v9 =	vcombine.low v32, v9  }
0xc1: {  	v6 =	vadd.f32 v33, v6  }
0xc2: {  	v10 =	vunpack.c.0.s8.s32 v35;
	v37 =	vunpack.c.0.s8.s32 v36;
	v9 =	vand.u32 $0xF, v9  }
0xc3: {  	v38 =	vperm.xlane v6, v9  }
0xc4: {  	v39 =	vld [tilespmem:$0xC40];
	v10 =	vcombine.low v37, v10  }
0xc5: {  	v6 =	vadd.f32 v38, v6  }
0xc6: {  	v10 =	vand.u32 $0xF, v10  }
0xc7: {  	v12 =	vperm.xlane v6, v10;
	_ =	sdelay $0x1  }
0xc8: {  	v40 =	vand.u32 $0x7FFFFF, v39;
	v6 =	vadd.f32 v12, v6  }
0xc9: {  	v12 =	vor.u32 $0x3F800000, v40  }
0xca: {  	v41 =	vadd.f32 $1.000000000e+00, v12;
	v6 =	vmax.f32 v6, $1.000000000e+00  }
0xcb: {  	(erf) = vrcp.f32 v6  }
0xcc: {  	(erf) = vrcp.f32 v41;
	_ =	sdelay $0x7  }
0xcd: {  	v12 =	vadd.f32 $-1.000000000e+00, v12;
	v6 =	vpop (erf)  }
0xce: {  	v13 =	vpop (erf)  }
0xcf: {  	v12 =	vmul.f32 v13, v12;
	_ =	sdelay $0x1  }
0xd0: {  	v13 =	vmul.f32 v12, v12;
	_ =	sdelay $0x1  }
0xd1: {  	v14 =	vmul.f32 $1.428571490e-01, v13;
	_ =	sdelay $0x1  }
0xd2: {  	v14 =	vadd.f32 $2.000000030e-01, v14  }
0xd3: {  	v42 =	vld [tilespmem:$0xBC0]  }
0xd4: {  	v14 =	vmul.f32 v14, v13;
	_ =	sdelay $0x1  }
0xd5: {  	v44 =	vld [tilespmem:$0xB40];
	v14 =	vadd.f32 $3.333333430e-01, v14  }
0xd6: {  	v3 =	vadd.f32 v3, v5;
	v2 =	vadd.f32 v2, v4;
	v11 =	vshra.s32 v39, $0x17  }
0xd7: {  	v47 =	vcvt.s32.f32 v42;
	v11 =	vadd.s32 $0xFFFFFF81, v11;
	v13 =	vmul.f32 v14, v13  }
0xd8: {  	v11 =	vcvt.s32.f32 v11;
	v43 =	vperm.xlane v3, v25  }
0xd9: {  	v46 =	vperm.xlane v2, v25;
	v12 =	vadd.f32 v12, v12;
	v13 =	vadd.f32 $1.000000000e+00, v13  }
0xda: {  	v0 =	vadd.f32 v0, v1;
	v1 =	vsub.f32 v44, v47;
	v48 =	vmul.f32 $6.931471820e-01, v11  }
0xdb: {  	v3 =	vadd.f32 v43, v3;
	v2 =	vadd.f32 v46, v2;
	v45 =	vmul.f32 v13, v12  }
0xdc: {  	v1 =	vand.u32 $0x7FFFFFFF, v1  }
0xdd: {  	v49 =	vperm.xlane v3, v8;
	v51 =	vperm.xlane v2, v8;
	v4 =	vadd.f32 v45, v48  }
0xde: {  	v50 =	vperm.xlane v0, v25;
	v52 =	vperm.xlane v1, v25  }
0xdf: {  	v3 =	vadd.f32 v49, v3;
	v2 =	vadd.f32 v51, v2;
	v4 =	vmax.f32 v4, $-1.000000000e+02  }
0xe0: {  	v0 =	vadd.f32 v50, v0;
	v4 =	vsub.f32 $0.0e+00, v4  }
0xe1: {  	v1 =	vadd.f32 v1, v52;
	v11 =	vperm.xlane v3, v9;
	v53 =	vperm.xlane v2, v9  }
0xe2: {  	v12 =	vperm.xlane v0, v8;
	v7 =	vperm.xlane v4, v25  }
0xe3: {  	v54 =	vperm.xlane v1, v8;
	v3 =	vadd.f32 v11, v3;
	v2 =	vadd.f32 v53, v2  }
0xe4: {  	v0 =	vadd.f32 v12, v0;
	v4 =	vadd.f32 v4, v7  }
0xe5: {  	v1 =	vadd.f32 v1, v54;
	v55 =	vperm.xlane v3, v10;
	v57 =	vperm.xlane v2, v10  }
0xe6: {  	v56 =	vperm.xlane v0, v9;
	v8 =	vperm.xlane v4, v8  }
0xe7: {  	v58 =	vperm.xlane v1, v9;
	v3 =	vadd.f32 v55, v3;
	v2 =	vadd.f32 v57, v2  }
0xe8: {  	v0 =	vadd.f32 v56, v0;
	v4 =	vadd.f32 v4, v8  }
0xe9: {  	v1 =	vadd.f32 v1, v58;
	v3 =	vmul.f32 $5.000000000e-01, v3;
	v2 =	vmul.f32 $5.000000000e-01, v2  }
0xea: {  	v59 =	vperm.xlane v0, v10;
	v60 =	vperm.xlane v4, v9  }
0xeb: {  	v61 =	vperm.xlane v1, v10;
	v3 =	vmul.f32 v3, v6  }
0xec: {  	v2 =	vmul.f32 v2, v6;
	v0 =	vadd.f32 v59, v0;
	v4 =	vadd.f32 v4, v60  }
0xed: {  	v1 =	vadd.f32 v1, v61  }
0xee: {  	v62 =	vadd.f32 v2, v3;
	v0 =	vmul.f32 v0, v6;
	v5 =	vperm.xlane v4, v10  }
0xef: {  	v1 =	vmul.f32 $6.249999860e-04, v1  }
0xf0: {  	v63 =	vadd.f32 v0, v62;
	v4 =	vadd.f32 v4, v5  }
0xf1: {  	[tilespmem:$0xD00] =	vst v1  }
0xf2: {  	[tilespmem:$0xCD0] =	vst v3;
	v5 =	vadd.f32 v1, v63;
	v4 =	vmul.f32 $6.250000000e-02, v4  }
0xf3: {  	[tilespmem:$0xCE0] =	vst v2  }
0xf4: {  	[tilespmem:$0xCF0] =	vst v0;
	v5 =	vadd.f32 v4, v5  }
0xf5: {  	[tilespmem:$0xD10] =	vst v4  }
0xf6: {  	s7 =	simm.s32 $0x0;
	s8 =	simm.s32 $0xCC0;
	[tilespmem:$0xCC0] =	vst v5  }
0xf7: {  	[hbm4b:s6+s7] =	stream.linear.scatter [tilespmem:s8], [sflag:$0x1], $0x1, $0x38;
	[tilespmem:$0xD40] =	vst v63  }
0xf8: {  	s25 =	simm.s32 $0xCD0  }
0xf9: {  	[hbm4b:s5+s7] =	stream.linear.scatter [tilespmem:s25], [sflag:$0x1], $0x1, $0x38;
	[tilespmem:$0xD40] =	vst v63  }
0xfa: {  	s26 =	simm.s32 $0xCE0  }
0xfb: {  	[hbm4b:s2+s7] =	stream.linear.scatter [tilespmem:s26], [sflag:$0x1], $0x1, $0x38;
	[tilespmem:$0xD40] =	vst v63  }
0xfc: {  	s28 =	simm.s32 $0xCF0  }
0xfd: {  	[hbm4b:s1+s7] =	stream.linear.scatter [tilespmem:s28], [sflag:$0x1], $0x1, $0x38;
	[tilespmem:$0xD40] =	vst v63  }
0xfe: {  	s29 =	simm.s32 $0xD00  }
0xff: {  	[hbm4b:s3+s7] =	stream.linear.scatter [tilespmem:s29], [sflag:$0x1], $0x1, $0x38;
	[tilespmem:$0xD40] =	vst v63  }
0x100: {  	s30 =	simm.s32 $0xD10;
	s31 =	simm.s32 $0x1  }
0x101: {  	[hbm4b:s4+s7] =	stream.linear.scatter [tilespmem:s30], [sflag:$0x1], $0x1, $0x38;
	[tilespmem:$0xD40] =	vst v63  }
0x102: {  	_ =	swait.ge [sflag:s31], $0x1  }
0x103: {  	[sflag:s31] =	ssyncset.done $0x0  }
0x104: {  	[sflag:s31] =	ssyncadd.s32 $0xFFFFFFFF  }
0x105: {  	_ =	swait.ge [sflag:s31], $0x1  }
0x106: {  	[sflag:s31] =	ssyncset.done $0x0  }
0x107: {  	[sflag:s31] =	ssyncadd.s32 $0xFFFFFFFF  }
0x108: {  	_ =	swait.ge [sflag:s31], $0x1  }
0x109: {  	[sflag:s31] =	ssyncset.done $0x0  }
0x10a: {  	[sflag:s31] =	ssyncadd.s32 $0xFFFFFFFF  }
0x10b: {  	_ =	swait.ge [sflag:s31], $0x1  }
0x10c: {  	[sflag:s31] =	ssyncset.done $0x0  }
0x10d: {  	[sflag:s31] =	ssyncadd.s32 $0xFFFFFFFF  }
0x10e: {  	_ =	swait.ge [sflag:s31], $0x1  }
0x10f: {  	[sflag:s31] =	ssyncset.done $0x0  }
0x110: {  	[sflag:s31] =	ssyncadd.s32 $0xFFFFFFFF  }
0x111: {  	_ =	swait.ge [sflag:s31], $0x1  }
0x112: {  	[sflag:s31] =	ssyncset.done $0x0  }
0x113: {  	[sflag:s31] =	ssyncadd.s32 $0xFFFFFFFF  }
0x114: {  	_ =	sfence.sel $0x180000  }
0x115: {  	[bflag:$0x0] =	sbarrier.arrive $0xFFFF  }
0x116: {  	_ =	strace $0x90000047  }
0x117: {  	s0 =	sadd.s32 $0x100000, s0;
	[bflag:$0x2] =	sbarrier.arrive $0xFFFF  }
0x118: {  	[sflag:s0] =	ssyncadd.tile.s32 $0x1;
	_ =	shalt  }
.Lfunc_end3:
_tile_overlayer_lowered:
.L_overlay_start_3:
0x119: {  	(tag) =	ssettag $0x3  }
0x11a: {  	s0 =	rddreg [dreg:$0x0];
	s2 =	stileid.u32  }
0x11b: {  	s1 =	rddreg [dreg:$0x1];
	p0 =	sne.s32 s2, $0x0  }
0x11c: {  	s3 =	rddreg [dreg:$0x2];
	[bflag:$0x3] =	sbarrier.arrive $0xFFFF;
	s2 =	simm.s32 @!p0 $0x1C02  }
0x11d: {  	[timem:s3], [sflag:s2] =	dma.local @!p0 [hbm:s0], s1  }
0x11e: {  	s0 =	simm.s32 @!p0 $0x2  }
0x11f: {  	_ =	swait.ge @!p0 [sflag:s0], s1  }
0x120: {  	s1 =	ssub.s32 @!p0 $0x0, s1;
	[sflag:s0] =	ssyncset.done @!p0 $0x0  }
0x121: {  	[sflag:s0] =	ssyncadd.s32 @!p0 s1  }
0x122: {  	[bflag:$0x3] =	sbarrier.arrive $0xFFFF  }
0x123: {  	_ =	shalt  }

</sc_bundles>
